<compile_context>
chip_gen: v7x
topology: tpu7x:2x2x1
jax: 0.10.2.dev20260603
libtpu: 0.0.44.dev20260713+nightly
codegen_flags: <defaults>
</compile_context>

<pallas_src>
import functools

import jax
import jax.numpy as jnp
from jax import lax
from jax.experimental import pallas as pl
from jax.experimental.pallas import tpu as pltpu
from jax.experimental.pallas import tpu_sc as plsc

_NC = 2
_NS = 16
_NW = _NC * _NS
_L = 16

_C = 128
_D = 128
_DB = _D // _L


def _sc_dot(n_chunks: int):
  per_w = n_chunks * _C

  mesh = plsc.VectorSubcoreMesh(core_axis_name="c", subcore_axis_name="s")

  @functools.partial(
      pl.kernel,
      out_type=jax.ShapeDtypeStruct((_NW * per_w,), jnp.float32),
      mesh=mesh,
      compiler_params=pltpu.CompilerParams(needs_layout_passes=False),
      scratch_types=[
          pltpu.VMEM((_C,), jnp.int32),
          pltpu.VMEM((_C,), jnp.int32),
          pltpu.VMEM((_C, _D), jnp.float32),
          pltpu.VMEM((_C, _D), jnp.float32),
          pltpu.VMEM((_L * _L,), jnp.float32),
          pltpu.VMEM((_C,), jnp.float32),
          pltpu.SemaphoreType.DMA,
          pltpu.SemaphoreType.DMA,
      ],
  )
  def k(h_hbm, src_hbm, dst_hbm, out_hbm,
        sidx_v, didx_v, srows_v, drows_v, pbuf_v, out_v, sem_s, sem_d):
    wid = lax.axis_index("s") * _NC + lax.axis_index("c")
    lane = lax.iota(jnp.int32, _L)

    def chunk_body(c, _):
      base = wid * per_w + c * _C
      pltpu.sync_copy(src_hbm.at[pl.ds(base, _C)], sidx_v)
      pltpu.sync_copy(dst_hbm.at[pl.ds(base, _C)], didx_v)
      cp_s = pltpu.make_async_copy(h_hbm.at[sidx_v], srows_v, sem_s)
      cp_d = pltpu.make_async_copy(h_hbm.at[didx_v], drows_v, sem_d)
      cp_s.start()
      cp_d.start()
      cp_s.wait()
      cp_d.wait()

      def group_body(g, _):
        e0 = g * _L
        for i in range(_L):
          e = e0 + i
          acc = srows_v[e, pl.ds(0, _L)] * drows_v[e, pl.ds(0, _L)]
          for j in range(1, _DB):
            acc = acc + (srows_v[e, pl.ds(j * _L, _L)] *
                         drows_v[e, pl.ds(j * _L, _L)])
          pbuf_v[pl.ds(i * _L, _L)] = acc
        lane16 = lane * _L
        sc = plsc.load_gather(pbuf_v, [lane16])
        for j in range(1, _L):
          sc = sc + plsc.load_gather(pbuf_v, [lane16 + j])
        out_v[pl.ds(e0, _L)] = sc
        return 0

      lax.fori_loop(0, _C // _L, group_body, 0)
      pltpu.sync_copy(out_v, out_hbm.at[pl.ds(base, _C)])
      return 0

    lax.fori_loop(0, n_chunks, chunk_body, 0)

  return k


def kernel(h, edge_index):
  B = edge_index.shape[1]
  n_chunks = -(-B // (_NW * _C))
  Bp = _NW * _C * n_chunks
  src = edge_index[0]
  dst = edge_index[1]
  if Bp != B:
    src = jnp.pad(src, (0, Bp - B))
    dst = jnp.pad(dst, (0, Bp - B))
  out = _sc_dot(n_chunks)(h, src, dst)
  return out[:B]

# --- scband reference (transcript-rebuilt; emitter-appended) ---
"""Pipeline reference for scband-dot-predictor-33449205301961 (READ-ONLY COPY).

The authoritative reference and input builder live on the scoring server;
editing this copy changes nothing except your own understanding.
"""

import jax, jax.numpy as jnp
import numpy as np

N_NODES = 10000
N_EDGES = 320000
D_FEAT = 128

def setup_inputs(seed: int = 0) -> dict:
    key = jax.random.key(seed)
    k1, k2 = jax.random.split(key)
    h = jax.random.normal(k1, (N_NODES, D_FEAT), dtype=jnp.float32)
    edge_index = jax.random.randint(k2, (2, N_EDGES), 0, N_NODES, dtype=jnp.int32)
    return {"h": h, "edge_index": edge_index}

def reference(h, edge_index):
    # DGL apply_edges with u_dot_v semantics:
    # score[e] = sum_d h[src[e], d] * h[dst[e], d]
    src = edge_index[0]
    dst = edge_index[1]
    h_src = jnp.take(h, src, axis=0)
    h_dst = jnp.take(h, dst, axis=0)
    score = jnp.sum(h_src * h_dst, axis=1)
    return score

if __name__ == "__main__":
    import jax
    _d = setup_inputs()
    print(jax.jit(kernel)(*tuple(_d.values())))

</pallas_src>

<mosaic_0001>
#map = affine_map<(d0, d1) -> (0, 0)>
#map1 = affine_map<(d0, d1) -> (0)>
module attributes {stable_mosaic.version = 14 : i64} {
  func.func @k(%arg0: i32, %arg1: i32, %arg2: memref<10000x128xf32, #tpu.memory_space<hbm>>, %arg3: memref<323584xi32, #tpu.memory_space<hbm>>, %arg4: memref<323584xi32, #tpu.memory_space<hbm>>, %arg5: memref<323584xf32, #tpu.memory_space<hbm>>, %arg6: memref<128xi32, #tpu.memory_space<vmem>>, %arg7: memref<128xi32, #tpu.memory_space<vmem>>, %arg8: memref<128x128xf32, #tpu.memory_space<vmem>>, %arg9: memref<128x128xf32, #tpu.memory_space<vmem>>, %arg10: memref<256xf32, #tpu.memory_space<vmem>>, %arg11: memref<128xf32, #tpu.memory_space<vmem>>, %arg12: memref<!tpu.dma_semaphore, #tpu.memory_space<semaphore_mem>>, %arg13: memref<!tpu.dma_semaphore, #tpu.memory_space<semaphore_mem>>) attributes {dimension_semantics = [#tpu.dimension_semantics<core_parallel>, #tpu.dimension_semantics<subcore_parallel>], iteration_bounds = array<i64: 2, 16>, scalar_prefetch = 0 : i64, scratch_operands = 8 : i64, tpu.core_type = #tpu.core_type<sc_vector_subcore>, window_params = [{transform_indices = #map}, {transform_indices = #map1}, {transform_indices = #map1}, {transform_indices = #map1}]} {
    %mul3A = arith.constant 2 : i32
    %mul3A_0 = arith.muli %arg1, %mul3A : i32
    %add3A = arith.addi %mul3A_0, %arg0 : i32
    %iota3A = tpu.iota {dimensions = array<i32: 0>} : vector<16xi32>
    %scan3A = arith.constant 0 : i32
    %scan3A_1 = arith.constant 0 : i32
    %scan3A_2 = arith.constant 79 : i32
    %scan3A_3 = arith.addi %scan3A_1, %scan3A_2 : i32
    %scan3A_4 = arith.constant 1 : i32
    %scan3A_5 = scf.for %scan3A_7 = %scan3A_1 to %scan3A_3 step %scan3A_4 iter_args(%scan3A_8 = %scan3A) -> (i32)  : i32 {
      %mul3A_9 = arith.constant 10112 : i32
      %mul3A_10 = arith.muli %add3A, %mul3A_9 : i32
      %mul3A_11 = arith.constant 128 : i32
      %mul3A_12 = arith.muli %scan3A_7, %mul3A_11 : i32
      %add3A_13 = arith.addi %mul3A_10, %mul3A_12 : i32
      "tpu.region"() ({
        %run_scoped3A = tpu.sem_alloc : memref<!tpu.dma_semaphore, #tpu.memory_space<semaphore_mem>>
        %dma_start3A_32 = tpu.memref_slice %arg3[%add3A_13] : memref<323584xi32, #tpu.memory_space<hbm>> -> memref<128xi32, #tpu.memory_space<hbm>>
        %dma_start3A_33 = tpu.memref_slice %arg3[%add3A_13] : memref<323584xi32, #tpu.memory_space<hbm>> -> memref<128xi32, #tpu.memory_space<hbm>>
        tpu.enqueue_dma source(%dma_start3A_33 : memref<128xi32, #tpu.memory_space<hbm>>) target(%arg6 : memref<128xi32, #tpu.memory_space<vmem>>) target_semaphore(%run_scoped3A : memref<!tpu.dma_semaphore, #tpu.memory_space<semaphore_mem>>)
        %dma_wait3A_34 = tpu.memref_slice %arg3[%add3A_13] : memref<323584xi32, #tpu.memory_space<hbm>> -> memref<128xi32, #tpu.memory_space<hbm>>
        %dma_wait3A_35 = tpu.memref_slice %arg3[%add3A_13] : memref<323584xi32, #tpu.memory_space<hbm>> -> memref<128xi32, #tpu.memory_space<hbm>>
        tpu.wait_dma2 semaphore(%run_scoped3A : memref<!tpu.dma_semaphore, #tpu.memory_space<semaphore_mem>>) src(%dma_wait3A_35 : memref<128xi32, #tpu.memory_space<hbm>>) dst(%arg6 : memref<128xi32, #tpu.memory_space<vmem>>)
        tpu.yield
      }) : () -> ()
      "tpu.region"() ({
        %run_scoped3A = tpu.sem_alloc : memref<!tpu.dma_semaphore, #tpu.memory_space<semaphore_mem>>
        %dma_start3A_32 = tpu.memref_slice %arg4[%add3A_13] : memref<323584xi32, #tpu.memory_space<hbm>> -> memref<128xi32, #tpu.memory_space<hbm>>
        %dma_start3A_33 = tpu.memref_slice %arg4[%add3A_13] : memref<323584xi32, #tpu.memory_space<hbm>> -> memref<128xi32, #tpu.memory_space<hbm>>
        tpu.enqueue_dma source(%dma_start3A_33 : memref<128xi32, #tpu.memory_space<hbm>>) target(%arg7 : memref<128xi32, #tpu.memory_space<vmem>>) target_semaphore(%run_scoped3A : memref<!tpu.dma_semaphore, #tpu.memory_space<semaphore_mem>>)
        %dma_wait3A_34 = tpu.memref_slice %arg4[%add3A_13] : memref<323584xi32, #tpu.memory_space<hbm>> -> memref<128xi32, #tpu.memory_space<hbm>>
        %dma_wait3A_35 = tpu.memref_slice %arg4[%add3A_13] : memref<323584xi32, #tpu.memory_space<hbm>> -> memref<128xi32, #tpu.memory_space<hbm>>
        tpu.wait_dma2 semaphore(%run_scoped3A : memref<!tpu.dma_semaphore, #tpu.memory_space<semaphore_mem>>) src(%dma_wait3A_35 : memref<128xi32, #tpu.memory_space<hbm>>) dst(%arg7 : memref<128xi32, #tpu.memory_space<vmem>>)
        tpu.yield
      }) : () -> ()
      %dma_start3A = arith.constant 0 : i32
      %dma_start3A_14 = arith.constant 0 : i32
      %dma_start3A_15 = tpu.memref_slice %arg2[%dma_start3A, %dma_start3A_14] : memref<10000x128xf32, #tpu.memory_space<hbm>> -> memref<10000x128xf32, #tpu.memory_space<hbm>>
      tpu.enqueue_indirect_dma source(%dma_start3A_15 : memref<10000x128xf32, #tpu.memory_space<hbm>>) target(%arg8 : memref<128x128xf32, #tpu.memory_space<vmem>>) offsets(%arg6 : memref<128xi32, #tpu.memory_space<vmem>>) semaphore(%arg12 : memref<!tpu.dma_semaphore, #tpu.memory_space<semaphore_mem>>)
      %dma_start3A_16 = arith.constant 0 : i32
      %dma_start3A_17 = arith.constant 0 : i32
      %dma_start3A_18 = tpu.memref_slice %arg2[%dma_start3A_16, %dma_start3A_17] : memref<10000x128xf32, #tpu.memory_space<hbm>> -> memref<10000x128xf32, #tpu.memory_space<hbm>>
      tpu.enqueue_indirect_dma source(%dma_start3A_18 : memref<10000x128xf32, #tpu.memory_space<hbm>>) target(%arg9 : memref<128x128xf32, #tpu.memory_space<vmem>>) offsets(%arg7 : memref<128xi32, #tpu.memory_space<vmem>>) semaphore(%arg13 : memref<!tpu.dma_semaphore, #tpu.memory_space<semaphore_mem>>)
      %dma_wait3A = arith.constant 0 : i32
      %dma_wait3A_19 = arith.constant 0 : i32
      %dma_wait3A_20 = tpu.memref_slice %arg2[%dma_wait3A, %dma_wait3A_19] : memref<10000x128xf32, #tpu.memory_space<hbm>> -> memref<10000x128xf32, #tpu.memory_space<hbm>>
      tpu.wait_indirect_dma semaphore(%arg12 : memref<!tpu.dma_semaphore, #tpu.memory_space<semaphore_mem>>) src(%dma_wait3A_20 : memref<10000x128xf32, #tpu.memory_space<hbm>>) dst(%arg8 : memref<128x128xf32, #tpu.memory_space<vmem>>)
      %dma_wait3A_21 = arith.constant 0 : i32
      %dma_wait3A_22 = arith.constant 0 : i32
      %dma_wait3A_23 = tpu.memref_slice %arg2[%dma_wait3A_21, %dma_wait3A_22] : memref<10000x128xf32, #tpu.memory_space<hbm>> -> memref<10000x128xf32, #tpu.memory_space<hbm>>
      tpu.wait_indirect_dma semaphore(%arg13 : memref<!tpu.dma_semaphore, #tpu.memory_space<semaphore_mem>>) src(%dma_wait3A_23 : memref<10000x128xf32, #tpu.memory_space<hbm>>) dst(%arg9 : memref<128x128xf32, #tpu.memory_space<vmem>>)
      %scan3A_24 = arith.constant 0 : i32
      %scan3A_25 = arith.constant 0 : i32
      %scan3A_26 = arith.constant 8 : i32
      %scan3A_27 = arith.addi %scan3A_25, %scan3A_26 : i32
      %scan3A_28 = arith.constant 1 : i32
      %scan3A_29 = scf.for %scan3A_32 = %scan3A_25 to %scan3A_27 step %scan3A_28 iter_args(%scan3A_33 = %scan3A_24) -> (i32)  : i32 {
        %mul3A_34 = arith.constant 16 : i32
        %mul3A_35 = arith.muli %scan3A_32, %mul3A_34 : i32
        %add3A_36 = arith.constant 0 : i32
        %add3A_37 = arith.addi %mul3A_35, %add3A_36 : i32
        %get3A = arith.index_cast %add3A_37 : i32 to index
        %get3A_38 = arith.constant 0 : index
        %get3A_39 = tpu.vector_load %arg8[%get3A, %get3A_38] {strides = array<i32>} : memref<128x128xf32, #tpu.memory_space<vmem>>, vector<16xf32>,
        %get3A_40 = arith.index_cast %add3A_37 : i32 to index
        %get3A_41 = arith.constant 0 : index
        %get3A_42 = tpu.vector_load %arg9[%get3A_40, %get3A_41] {strides = array<i32>} : memref<128x128xf32, #tpu.memory_space<vmem>>, vector<16xf32>,
        %mul3A_43 = arith.mulf %get3A_39, %get3A_42 : vector<16xf32>
        %get3A_44 = arith.index_cast %add3A_37 : i32 to index
        %get3A_45 = arith.constant 16 : index
        %get3A_46 = tpu.vector_load %arg8[%get3A_44, %get3A_45] {strides = array<i32>} : memref<128x128xf32, #tpu.memory_space<vmem>>, vector<16xf32>,
        %get3A_47 = arith.index_cast %add3A_37 : i32 to index
        %get3A_48 = arith.constant 16 : index
        %get3A_49 = tpu.vector_load %arg9[%get3A_47, %get3A_48] {strides = array<i32>} : memref<128x128xf32, #tpu.memory_space<vmem>>, vector<16xf32>,
        %mul3A_50 = arith.mulf %get3A_46, %get3A_49 : vector<16xf32>
        %add3A_51 = arith.addf %mul3A_43, %mul3A_50 : vector<16xf32>
        %get3A_52 = arith.index_cast %add3A_37 : i32 to index
        %get3A_53 = arith.constant 32 : index
        %get3A_54 = tpu.vector_load %arg8[%get3A_52, %get3A_53] {strides = array<i32>} : memref<128x128xf32, #tpu.memory_space<vmem>>, vector<16xf32>,
        %get3A_55 = arith.index_cast %add3A_37 : i32 to index
        %get3A_56 = arith.constant 32 : index
        %get3A_57 = tpu.vector_load %arg9[%get3A_55, %get3A_56] {strides = array<i32>} : memref<128x128xf32, #tpu.memory_space<vmem>>, vector<16xf32>,
        %mul3A_58 = arith.mulf %get3A_54, %get3A_57 : vector<16xf32>
        %add3A_59 = arith.addf %add3A_51, %mul3A_58 : vector<16xf32>
        %get3A_60 = arith.index_cast %add3A_37 : i32 to index
        %get3A_61 = arith.constant 48 : index
        %get3A_62 = tpu.vector_load %arg8[%get3A_60, %get3A_61] {strides = array<i32>} : memref<128x128xf32, #tpu.memory_space<vmem>>, vector<16xf32>,
        %get3A_63 = arith.index_cast %add3A_37 : i32 to index
        %get3A_64 = arith.constant 48 : index
        %get3A_65 = tpu.vector_load %arg9[%get3A_63, %get3A_64] {strides = array<i32>} : memref<128x128xf32, #tpu.memory_space<vmem>>, vector<16xf32>,
        %mul3A_66 = arith.mulf %get3A_62, %get3A_65 : vector<16xf32>
        %add3A_67 = arith.addf %add3A_59, %mul3A_66 : vector<16xf32>
        %get3A_68 = arith.index_cast %add3A_37 : i32 to index
        %get3A_69 = arith.constant 64 : index
        %get3A_70 = tpu.vector_load %arg8[%get3A_68, %get3A_69] {strides = array<i32>} : memref<128x128xf32, #tpu.memory_space<vmem>>, vector<16xf32>,
        %get3A_71 = arith.index_cast %add3A_37 : i32 to index
        %get3A_72 = arith.constant 64 : index
        %get3A_73 = tpu.vector_load %arg9[%get3A_71, %get3A_72] {strides = array<i32>} : memref<128x128xf32, #tpu.memory_space<vmem>>, vector<16xf32>,
        %mul3A_74 = arith.mulf %get3A_70, %get3A_73 : vector<16xf32>
        %add3A_75 = arith.addf %add3A_67, %mul3A_74 : vector<16xf32>
        %get3A_76 = arith.index_cast %add3A_37 : i32 to index
        %get3A_77 = arith.constant 80 : index
        %get3A_78 = tpu.vector_load %arg8[%get3A_76, %get3A_77] {strides = array<i32>} : memref<128x128xf32, #tpu.memory_space<vmem>>, vector<16xf32>,
        %get3A_79 = arith.index_cast %add3A_37 : i32 to index
        %get3A_80 = arith.constant 80 : index
        %get3A_81 = tpu.vector_load %arg9[%get3A_79, %get3A_80] {strides = array<i32>} : memref<128x128xf32, #tpu.memory_space<vmem>>, vector<16xf32>,
        %mul3A_82 = arith.mulf %get3A_78, %get3A_81 : vector<16xf32>
        %add3A_83 = arith.addf %add3A_75, %mul3A_82 : vector<16xf32>
        %get3A_84 = arith.index_cast %add3A_37 : i32 to index
        %get3A_85 = arith.constant 96 : index
        %get3A_86 = tpu.vector_load %arg8[%get3A_84, %get3A_85] {strides = array<i32>} : memref<128x128xf32, #tpu.memory_space<vmem>>, vector<16xf32>,
        %get3A_87 = arith.index_cast %add3A_37 : i32 to index
        %get3A_88 = arith.constant 96 : index
        %get3A_89 = tpu.vector_load %arg9[%get3A_87, %get3A_88] {strides = array<i32>} : memref<128x128xf32, #tpu.memory_space<vmem>>, vector<16xf32>,
        %mul3A_90 = arith.mulf %get3A_86, %get3A_89 : vector<16xf32>
        %add3A_91 = arith.addf %add3A_83, %mul3A_90 : vector<16xf32>
        %get3A_92 = arith.index_cast %add3A_37 : i32 to index
        %get3A_93 = arith.constant 112 : index
        %get3A_94 = tpu.vector_load %arg8[%get3A_92, %get3A_93] {strides = array<i32>} : memref<128x128xf32, #tpu.memory_space<vmem>>, vector<16xf32>,
        %get3A_95 = arith.index_cast %add3A_37 : i32 to index
        %get3A_96 = arith.constant 112 : index
        %get3A_97 = tpu.vector_load %arg9[%get3A_95, %get3A_96] {strides = array<i32>} : memref<128x128xf32, #tpu.memory_space<vmem>>, vector<16xf32>,
        %mul3A_98 = arith.mulf %get3A_94, %get3A_97 : vector<16xf32>
        %add3A_99 = arith.addf %add3A_91, %mul3A_98 : vector<16xf32>
        %swap3A = arith.constant 0 : index
        %swap3A_100 = tpu.vector_load %arg10[%swap3A] {strides = array<i32>} : memref<256xf32, #tpu.memory_space<vmem>>, vector<16xf32>,
        tpu.vector_store %arg10[%swap3A], %add3A_99 {strides = array<i32>} : memref<256xf32, #tpu.memory_space<vmem>>, vector<16xf32>,
        %add3A_101 = arith.constant 1 : i32
        %add3A_102 = arith.addi %mul3A_35, %add3A_101 : i32
        %get3A_103 = arith.index_cast %add3A_102 : i32 to index
        %get3A_104 = arith.constant 0 : index
        %get3A_105 = tpu.vector_load %arg8[%get3A_103, %get3A_104] {strides = array<i32>} : memref<128x128xf32, #tpu.memory_space<vmem>>, vector<16xf32>,
        %get3A_106 = arith.index_cast %add3A_102 : i32 to index
        %get3A_107 = arith.constant 0 : index
        %get3A_108 = tpu.vector_load %arg9[%get3A_106, %get3A_107] {strides = array<i32>} : memref<128x128xf32, #tpu.memory_space<vmem>>, vector<16xf32>,
        %mul3A_109 = arith.mulf %get3A_105, %get3A_108 : vector<16xf32>
        %get3A_110 = arith.index_cast %add3A_102 : i32 to index
        %get3A_111 = arith.constant 16 : index
        %get3A_112 = tpu.vector_load %arg8[%get3A_110, %get3A_111] {strides = array<i32>} : memref<128x128xf32, #tpu.memory_space<vmem>>, vector<16xf32>,
        %get3A_113 = arith.index_cast %add3A_102 : i32 to index
        %get3A_114 = arith.constant 16 : index
        %get3A_115 = tpu.vector_load %arg9[%get3A_113, %get3A_114] {strides = array<i32>} : memref<128x128xf32, #tpu.memory_space<vmem>>, vector<16xf32>,
        %mul3A_116 = arith.mulf %get3A_112, %get3A_115 : vector<16xf32>
        %add3A_117 = arith.addf %mul3A_109, %mul3A_116 : vector<16xf32>
        %get3A_118 = arith.index_cast %add3A_102 : i32 to index
        %get3A_119 = arith.constant 32 : index
        %get3A_120 = tpu.vector_load %arg8[%get3A_118, %get3A_119] {strides = array<i32>} : memref<128x128xf32, #tpu.memory_space<vmem>>, vector<16xf32>,
        %get3A_121 = arith.index_cast %add3A_102 : i32 to index
        %get3A_122 = arith.constant 32 : index
        %get3A_123 = tpu.vector_load %arg9[%get3A_121, %get3A_122] {strides = array<i32>} : memref<128x128xf32, #tpu.memory_space<vmem>>, vector<16xf32>,
        %mul3A_124 = arith.mulf %get3A_120, %get3A_123 : vector<16xf32>
        %add3A_125 = arith.addf %add3A_117, %mul3A_124 : vector<16xf32>
        %get3A_126 = arith.index_cast %add3A_102 : i32 to index
        %get3A_127 = arith.constant 48 : index
        %get3A_128 = tpu.vector_load %arg8[%get3A_126, %get3A_127] {strides = array<i32>} : memref<128x128xf32, #tpu.memory_space<vmem>>, vector<16xf32>,
        %get3A_129 = arith.index_cast %add3A_102 : i32 to index
        %get3A_130 = arith.constant 48 : index
        %get3A_131 = tpu.vector_load %arg9[%get3A_129, %get3A_130] {strides = array<i32>} : memref<128x128xf32, #tpu.memory_space<vmem>>, vector<16xf32>,
        %mul3A_132 = arith.mulf %get3A_128, %get3A_131 : vector<16xf32>
        %add3A_133 = arith.addf %add3A_125, %mul3A_132 : vector<16xf32>
        %get3A_134 = arith.index_cast %add3A_102 : i32 to index
        %get3A_135 = arith.constant 64 : index
        %get3A_136 = tpu.vector_load %arg8[%get3A_134, %get3A_135] {strides = array<i32>} : memref<128x128xf32, #tpu.memory_space<vmem>>, vector<16xf32>,
        %get3A_137 = arith.index_cast %add3A_102 : i32 to index
        %get3A_138 = arith.constant 64 : index
        %get3A_139 = tpu.vector_load %arg9[%get3A_137, %get3A_138] {strides = array<i32>} : memref<128x128xf32, #tpu.memory_space<vmem>>, vector<16xf32>,
        %mul3A_140 = arith.mulf %get3A_136, %get3A_139 : vector<16xf32>
        %add3A_141 = arith.addf %add3A_133, %mul3A_140 : vector<16xf32>
        %get3A_142 = arith.index_cast %add3A_102 : i32 to index
        %get3A_143 = arith.constant 80 : index
        %get3A_144 = tpu.vector_load %arg8[%get3A_142, %get3A_143] {strides = array<i32>} : memref<128x128xf32, #tpu.memory_space<vmem>>, vector<16xf32>,
        %get3A_145 = arith.index_cast %add3A_102 : i32 to index
        %get3A_146 = arith.constant 80 : index
        %get3A_147 = tpu.vector_load %arg9[%get3A_145, %get3A_146] {strides = array<i32>} : memref<128x128xf32, #tpu.memory_space<vmem>>, vector<16xf32>,
        %mul3A_148 = arith.mulf %get3A_144, %get3A_147 : vector<16xf32>
        %add3A_149 = arith.addf %add3A_141, %mul3A_148 : vector<16xf32>
        %get3A_150 = arith.index_cast %add3A_102 : i32 to index
        %get3A_151 = arith.constant 96 : index
        %get3A_152 = tpu.vector_load %arg8[%get3A_150, %get3A_151] {strides = array<i32>} : memref<128x128xf32, #tpu.memory_space<vmem>>, vector<16xf32>,
        %get3A_153 = arith.index_cast %add3A_102 : i32 to index
        %get3A_154 = arith.constant 96 : index
        %get3A_155 = tpu.vector_load %arg9[%get3A_153, %get3A_154] {strides = array<i32>} : memref<128x128xf32, #tpu.memory_space<vmem>>, vector<16xf32>,
        %mul3A_156 = arith.mulf %get3A_152, %get3A_155 : vector<16xf32>
        %add3A_157 = arith.addf %add3A_149, %mul3A_156 : vector<16xf32>
        %get3A_158 = arith.index_cast %add3A_102 : i32 to index
        %get3A_159 = arith.constant 112 : index
        %get3A_160 = tpu.vector_load %arg8[%get3A_158, %get3A_159] {strides = array<i32>} : memref<128x128xf32, #tpu.memory_space<vmem>>, vector<16xf32>,
        %get3A_161 = arith.index_cast %add3A_102 : i32 to index
        %get3A_162 = arith.constant 112 : index
        %get3A_163 = tpu.vector_load %arg9[%get3A_161, %get3A_162] {strides = array<i32>} : memref<128x128xf32, #tpu.memory_space<vmem>>, vector<16xf32>,
        %mul3A_164 = arith.mulf %get3A_160, %get3A_163 : vector<16xf32>
        %add3A_165 = arith.addf %add3A_157, %mul3A_164 : vector<16xf32>
        %swap3A_166 = arith.constant 16 : index
        %swap3A_167 = tpu.vector_load %arg10[%swap3A_166] {strides = array<i32>} : memref<256xf32, #tpu.memory_space<vmem>>, vector<16xf32>,
        tpu.vector_store %arg10[%swap3A_166], %add3A_165 {strides = array<i32>} : memref<256xf32, #tpu.memory_space<vmem>>, vector<16xf32>,
        %add3A_168 = arith.constant 2 : i32
        %add3A_169 = arith.addi %mul3A_35, %add3A_168 : i32
        %get3A_170 = arith.index_cast %add3A_169 : i32 to index
        %get3A_171 = arith.constant 0 : index
        %get3A_172 = tpu.vector_load %arg8[%get3A_170, %get3A_171] {strides = array<i32>} : memref<128x128xf32, #tpu.memory_space<vmem>>, vector<16xf32>,
        %get3A_173 = arith.index_cast %add3A_169 : i32 to index
        %get3A_174 = arith.constant 0 : index
        %get3A_175 = tpu.vector_load %arg9[%get3A_173, %get3A_174] {strides = array<i32>} : memref<128x128xf32, #tpu.memory_space<vmem>>, vector<16xf32>,
        %mul3A_176 = arith.mulf %get3A_172, %get3A_175 : vector<16xf32>
        %get3A_177 = arith.index_cast %add3A_169 : i32 to index
        %get3A_178 = arith.constant 16 : index
        %get3A_179 = tpu.vector_load %arg8[%get3A_177, %get3A_178] {strides = array<i32>} : memref<128x128xf32, #tpu.memory_space<vmem>>, vector<16xf32>,
        %get3A_180 = arith.index_cast %add3A_169 : i32 to index
        %get3A_181 = arith.constant 16 : index
        %get3A_182 = tpu.vector_load %arg9[%get3A_180, %get3A_181] {strides = array<i32>} : memref<128x128xf32, #tpu.memory_space<vmem>>, vector<16xf32>,
        %mul3A_183 = arith.mulf %get3A_179, %get3A_182 : vector<16xf32>
        %add3A_184 = arith.addf %mul3A_176, %mul3A_183 : vector<16xf32>
        %get3A_185 = arith.index_cast %add3A_169 : i32 to index
        %get3A_186 = arith.constant 32 : index
        %get3A_187 = tpu.vector_load %arg8[%get3A_185, %get3A_186] {strides = array<i32>} : memref<128x128xf32, #tpu.memory_space<vmem>>, vector<16xf32>,
        %get3A_188 = arith.index_cast %add3A_169 : i32 to index
        %get3A_189 = arith.constant 32 : index
        %get3A_190 = tpu.vector_load %arg9[%get3A_188, %get3A_189] {strides = array<i32>} : memref<128x128xf32, #tpu.memory_space<vmem>>, vector<16xf32>,
        %mul3A_191 = arith.mulf %get3A_187, %get3A_190 : vector<16xf32>
        %add3A_192 = arith.addf %add3A_184, %mul3A_191 : vector<16xf32>
        %get3A_193 = arith.index_cast %add3A_169 : i32 to index
        %get3A_194 = arith.constant 48 : index
        %get3A_195 = tpu.vector_load %arg8[%get3A_193, %get3A_194] {strides = array<i32>} : memref<128x128xf32, #tpu.memory_space<vmem>>, vector<16xf32>,
        %get3A_196 = arith.index_cast %add3A_169 : i32 to index
        %get3A_197 = arith.constant 48 : index
        %get3A_198 = tpu.vector_load %arg9[%get3A_196, %get3A_197] {strides = array<i32>} : memref<128x128xf32, #tpu.memory_space<vmem>>, vector<16xf32>,
        %mul3A_199 = arith.mulf %get3A_195, %get3A_198 : vector<16xf32>
        %add3A_200 = arith.addf %add3A_192, %mul3A_199 : vector<16xf32>
        %get3A_201 = arith.index_cast %add3A_169 : i32 to index
        %get3A_202 = arith.constant 64 : index
        %get3A_203 = tpu.vector_load %arg8[%get3A_201, %get3A_202] {strides = array<i32>} : memref<128x128xf32, #tpu.memory_space<vmem>>, vector<16xf32>,
        %get3A_204 = arith.index_cast %add3A_169 : i32 to index
        %get3A_205 = arith.constant 64 : index
        %get3A_206 = tpu.vector_load %arg9[%get3A_204, %get3A_205] {strides = array<i32>} : memref<128x128xf32, #tpu.memory_space<vmem>>, vector<16xf32>,
        %mul3A_207 = arith.mulf %get3A_203, %get3A_206 : vector<16xf32>
        %add3A_208 = arith.addf %add3A_200, %mul3A_207 : vector<16xf32>
        %get3A_209 = arith.index_cast %add3A_169 : i32 to index
        %get3A_210 = arith.constant 80 : index
        %get3A_211 = tpu.vector_load %arg8[%get3A_209, %get3A_210] {strides = array<i32>} : memref<128x128xf32, #tpu.memory_space<vmem>>, vector<16xf32>,
        %get3A_212 = arith.index_cast %add3A_169 : i32 to index
        %get3A_213 = arith.constant 80 : index
        %get3A_214 = tpu.vector_load %arg9[%get3A_212, %get3A_213] {strides = array<i32>} : memref<128x128xf32, #tpu.memory_space<vmem>>, vector<16xf32>,
        %mul3A_215 = arith.mulf %get3A_211, %get3A_214 : vector<16xf32>
        %add3A_216 = arith.addf %add3A_208, %mul3A_215 : vector<16xf32>
        %get3A_217 = arith.index_cast %add3A_169 : i32 to index
        %get3A_218 = arith.constant 96 : index
        %get3A_219 = tpu.vector_load %arg8[%get3A_217, %get3A_218] {strides = array<i32>} : memref<128x128xf32, #tpu.memory_space<vmem>>, vector<16xf32>,
        %get3A_220 = arith.index_cast %add3A_169 : i32 to index
        %get3A_221 = arith.constant 96 : index
        %get3A_222 = tpu.vector_load %arg9[%get3A_220, %get3A_221] {strides = array<i32>} : memref<128x128xf32, #tpu.memory_space<vmem>>, vector<16xf32>,
        %mul3A_223 = arith.mulf %get3A_219, %get3A_222 : vector<16xf32>
        %add3A_224 = arith.addf %add3A_216, %mul3A_223 : vector<16xf32>
        %get3A_225 = arith.index_cast %add3A_169 : i32 to index
        %get3A_226 = arith.constant 112 : index
        %get3A_227 = tpu.vector_load %arg8[%get3A_225, %get3A_226] {strides = array<i32>} : memref<128x128xf32, #tpu.memory_space<vmem>>, vector<16xf32>,
        %get3A_228 = arith.index_cast %add3A_169 : i32 to index
        %get3A_229 = arith.constant 112 : index
        %get3A_230 = tpu.vector_load %arg9[%get3A_228, %get3A_229] {strides = array<i32>} : memref<128x128xf32, #tpu.memory_space<vmem>>, vector<16xf32>,
        %mul3A_231 = arith.mulf %get3A_227, %get3A_230 : vector<16xf32>
        %add3A_232 = arith.addf %add3A_224, %mul3A_231 : vector<16xf32>
        %swap3A_233 = arith.constant 32 : index
        %swap3A_234 = tpu.vector_load %arg10[%swap3A_233] {strides = array<i32>} : memref<256xf32, #tpu.memory_space<vmem>>, vector<16xf32>,
        tpu.vector_store %arg10[%swap3A_233], %add3A_232 {strides = array<i32>} : memref<256xf32, #tpu.memory_space<vmem>>, vector<16xf32>,
        %add3A_235 = arith.constant 3 : i32
        %add3A_236 = arith.addi %mul3A_35, %add3A_235 : i32
        %get3A_237 = arith.index_cast %add3A_236 : i32 to index
        %get3A_238 = arith.constant 0 : index
        %get3A_239 = tpu.vector_load %arg8[%get3A_237, %get3A_238] {strides = array<i32>} : memref<128x128xf32, #tpu.memory_space<vmem>>, vector<16xf32>,
        %get3A_240 = arith.index_cast %add3A_236 : i32 to index
        %get3A_241 = arith.constant 0 : index
        %get3A_242 = tpu.vector_load %arg9[%get3A_240, %get3A_241] {strides = array<i32>} : memref<128x128xf32, #tpu.memory_space<vmem>>, vector<16xf32>,
        %mul3A_243 = arith.mulf %get3A_239, %get3A_242 : vector<16xf32>
        %get3A_244 = arith.index_cast %add3A_236 : i32 to index
        %get3A_245 = arith.constant 16 : index
        %get3A_246 = tpu.vector_load %arg8[%get3A_244, %get3A_245] {strides = array<i32>} : memref<128x128xf32, #tpu.memory_space<vmem>>, vector<16xf32>,
        %get3A_247 = arith.index_cast %add3A_236 : i32 to index
        %get3A_248 = arith.constant 16 : index
        %get3A_249 = tpu.vector_load %arg9[%get3A_247, %get3A_248] {strides = array<i32>} : memref<128x128xf32, #tpu.memory_space<vmem>>, vector<16xf32>,
        %mul3A_250 = arith.mulf %get3A_246, %get3A_249 : vector<16xf32>
        %add3A_251 = arith.addf %mul3A_243, %mul3A_250 : vector<16xf32>
        %get3A_252 = arith.index_cast %add3A_236 : i32 to index
        %get3A_253 = arith.constant 32 : index
        %get3A_254 = tpu.vector_load %arg8[%get3A_252, %get3A_253] {strides = array<i32>} : memref<128x128xf32, #tpu.memory_space<vmem>>, vector<16xf32>,
        %get3A_255 = arith.index_cast %add3A_236 : i32 to index
        %get3A_256 = arith.constant 32 : index
        %get3A_257 = tpu.vector_load %arg9[%get3A_255, %get3A_256] {strides = array<i32>} : memref<128x128xf32, #tpu.memory_space<vmem>>, vector<16xf32>,
        %mul3A_258 = arith.mulf %get3A_254, %get3A_257 : vector<16xf32>
        %add3A_259 = arith.addf %add3A_251, %mul3A_258 : vector<16xf32>
        %get3A_260 = arith.index_cast %add3A_236 : i32 to index
        %get3A_261 = arith.constant 48 : index
        %get3A_262 = tpu.vector_load %arg8[%get3A_260, %get3A_261] {strides = array<i32>} : memref<128x128xf32, #tpu.memory_space<vmem>>, vector<16xf32>,
        %get3A_263 = arith.index_cast %add3A_236 : i32 to index
        %get3A_264 = arith.constant 48 : index
        %get3A_265 = tpu.vector_load %arg9[%get3A_263, %get3A_264] {strides = array<i32>} : memref<128x128xf32, #tpu.memory_space<vmem>>, vector<16xf32>,
        %mul3A_266 = arith.mulf %get3A_262, %get3A_265 : vector<16xf32>
        %add3A_267 = arith.addf %add3A_259, %mul3A_266 : vector<16xf32>
        %get3A_268 = arith.index_cast %add3A_236 : i32 to index
        %get3A_269 = arith.constant 64 : index
        %get3A_270 = tpu.vector_load %arg8[%get3A_268, %get3A_269] {strides = array<i32>} : memref<128x128xf32, #tpu.memory_space<vmem>>, vector<16xf32>,
        %get3A_271 = arith.index_cast %add3A_236 : i32 to index
        %get3A_272 = arith.constant 64 : index
        %get3A_273 = tpu.vector_load %arg9[%get3A_271, %get3A_272] {strides = array<i32>} : memref<128x128xf32, #tpu.memory_space<vmem>>, vector<16xf32>,
        %mul3A_274 = arith.mulf %get3A_270, %get3A_273 : vector<16xf32>
        %add3A_275 = arith.addf %add3A_267, %mul3A_274 : vector<16xf32>
        %get3A_276 = arith.index_cast %add3A_236 : i32 to index
        %get3A_277 = arith.constant 80 : index
        %get3A_278 = tpu.vector_load %arg8[%get3A_276, %get3A_277] {strides = array<i32>} : memref<128x128xf32, #tpu.memory_space<vmem>>, vector<16xf32>,
        %get3A_279 = arith.index_cast %add3A_236 : i32 to index
        %get3A_280 = arith.constant 80 : index
        %get3A_281 = tpu.vector_load %arg9[%get3A_279, %get3A_280] {strides = array<i32>} : memref<128x128xf32, #tpu.memory_space<vmem>>, vector<16xf32>,
        %mul3A_282 = arith.mulf %get3A_278, %get3A_281 : vector<16xf32>
        %add3A_283 = arith.addf %add3A_275, %mul3A_282 : vector<16xf32>
        %get3A_284 = arith.index_cast %add3A_236 : i32 to index
        %get3A_285 = arith.constant 96 : index
        %get3A_286 = tpu.vector_load %arg8[%get3A_284, %get3A_285] {strides = array<i32>} : memref<128x128xf32, #tpu.memory_space<vmem>>, vector<16xf32>,
        %get3A_287 = arith.index_cast %add3A_236 : i32 to index
        %get3A_288 = arith.constant 96 : index
        %get3A_289 = tpu.vector_load %arg9[%get3A_287, %get3A_288] {strides = array<i32>} : memref<128x128xf32, #tpu.memory_space<vmem>>, vector<16xf32>,
        %mul3A_290 = arith.mulf %get3A_286, %get3A_289 : vector<16xf32>
        %add3A_291 = arith.addf %add3A_283, %mul3A_290 : vector<16xf32>
        %get3A_292 = arith.index_cast %add3A_236 : i32 to index
        %get3A_293 = arith.constant 112 : index
        %get3A_294 = tpu.vector_load %arg8[%get3A_292, %get3A_293] {strides = array<i32>} : memref<128x128xf32, #tpu.memory_space<vmem>>, vector<16xf32>,
        %get3A_295 = arith.index_cast %add3A_236 : i32 to index
        %get3A_296 = arith.constant 112 : index
        %get3A_297 = tpu.vector_load %arg9[%get3A_295, %get3A_296] {strides = array<i32>} : memref<128x128xf32, #tpu.memory_space<vmem>>, vector<16xf32>,
        %mul3A_298 = arith.mulf %get3A_294, %get3A_297 : vector<16xf32>
        %add3A_299 = arith.addf %add3A_291, %mul3A_298 : vector<16xf32>
        %swap3A_300 = arith.constant 48 : index
        %swap3A_301 = tpu.vector_load %arg10[%swap3A_300] {strides = array<i32>} : memref<256xf32, #tpu.memory_space<vmem>>, vector<16xf32>,
        tpu.vector_store %arg10[%swap3A_300], %add3A_299 {strides = array<i32>} : memref<256xf32, #tpu.memory_space<vmem>>, vector<16xf32>,
        %add3A_302 = arith.constant 4 : i32
        %add3A_303 = arith.addi %mul3A_35, %add3A_302 : i32
        %get3A_304 = arith.index_cast %add3A_303 : i32 to index
        %get3A_305 = arith.constant 0 : index
        %get3A_306 = tpu.vector_load %arg8[%get3A_304, %get3A_305] {strides = array<i32>} : memref<128x128xf32, #tpu.memory_space<vmem>>, vector<16xf32>,
        %get3A_307 = arith.index_cast %add3A_303 : i32 to index
        %get3A_308 = arith.constant 0 : index
        %get3A_309 = tpu.vector_load %arg9[%get3A_307, %get3A_308] {strides = array<i32>} : memref<128x128xf32, #tpu.memory_space<vmem>>, vector<16xf32>,
        %mul3A_310 = arith.mulf %get3A_306, %get3A_309 : vector<16xf32>
        %get3A_311 = arith.index_cast %add3A_303 : i32 to index
        %get3A_312 = arith.constant 16 : index
        %get3A_313 = tpu.vector_load %arg8[%get3A_311, %get3A_312] {strides = array<i32>} : memref<128x128xf32, #tpu.memory_space<vmem>>, vector<16xf32>,
        %get3A_314 = arith.index_cast %add3A_303 : i32 to index
        %get3A_315 = arith.constant 16 : index
        %get3A_316 = tpu.vector_load %arg9[%get3A_314, %get3A_315] {strides = array<i32>} : memref<128x128xf32, #tpu.memory_space<vmem>>, vector<16xf32>,
        %mul3A_317 = arith.mulf %get3A_313, %get3A_316 : vector<16xf32>
        %add3A_318 = arith.addf %mul3A_310, %mul3A_317 : vector<16xf32>
        %get3A_319 = arith.index_cast %add3A_303 : i32 to index
        %get3A_320 = arith.constant 32 : index
        %get3A_321 = tpu.vector_load %arg8[%get3A_319, %get3A_320] {strides = array<i32>} : memref<128x128xf32, #tpu.memory_space<vmem>>, vector<16xf32>,
        %get3A_322 = arith.index_cast %add3A_303 : i32 to index
        %get3A_323 = arith.constant 32 : index
        %get3A_324 = tpu.vector_load %arg9[%get3A_322, %get3A_323] {strides = array<i32>} : memref<128x128xf32, #tpu.memory_space<vmem>>, vector<16xf32>,
        %mul3A_325 = arith.mulf %get3A_321, %get3A_324 : vector<16xf32>
        %add3A_326 = arith.addf %add3A_318, %mul3A_325 : vector<16xf32>
        %get3A_327 = arith.index_cast %add3A_303 : i32 to index
        %get3A_328 = arith.constant 48 : index
        %get3A_329 = tpu.vector_load %arg8[%get3A_327, %get3A_328] {strides = array<i32>} : memref<128x128xf32, #tpu.memory_space<vmem>>, vector<16xf32>,
        %get3A_330 = arith.index_cast %add3A_303 : i32 to index
        %get3A_331 = arith.constant 48 : index
        %get3A_332 = tpu.vector_load %arg9[%get3A_330, %get3A_331] {strides = array<i32>} : memref<128x128xf32, #tpu.memory_space<vmem>>, vector<16xf32>,
        %mul3A_333 = arith.mulf %get3A_329, %get3A_332 : vector<16xf32>
        %add3A_334 = arith.addf %add3A_326, %mul3A_333 : vector<16xf32>
        %get3A_335 = arith.index_cast %add3A_303 : i32 to index
        %get3A_336 = arith.constant 64 : index
        %get3A_337 = tpu.vector_load %arg8[%get3A_335, %get3A_336] {strides = array<i32>} : memref<128x128xf32, #tpu.memory_space<vmem>>, vector<16xf32>,
        %get3A_338 = arith.index_cast %add3A_303 : i32 to index
        %get3A_339 = arith.constant 64 : index
        %get3A_340 = tpu.vector_load %arg9[%get3A_338, %get3A_339] {strides = array<i32>} : memref<128x128xf32, #tpu.memory_space<vmem>>, vector<16xf32>,
        %mul3A_341 = arith.mulf %get3A_337, %get3A_340 : vector<16xf32>
        %add3A_342 = arith.addf %add3A_334, %mul3A_341 : vector<16xf32>
        %get3A_343 = arith.index_cast %add3A_303 : i32 to index
        %get3A_344 = arith.constant 80 : index
        %get3A_345 = tpu.vector_load %arg8[%get3A_343, %get3A_344] {strides = array<i32>} : memref<128x128xf32, #tpu.memory_space<vmem>>, vector<16xf32>,
        %get3A_346 = arith.index_cast %add3A_303 : i32 to index
        %get3A_347 = arith.constant 80 : index
        %get3A_348 = tpu.vector_load %arg9[%get3A_346, %get3A_347] {strides = array<i32>} : memref<128x128xf32, #tpu.memory_space<vmem>>, vector<16xf32>,
        %mul3A_349 = arith.mulf %get3A_345, %get3A_348 : vector<16xf32>
        %add3A_350 = arith.addf %add3A_342, %mul3A_349 : vector<16xf32>
        %get3A_351 = arith.index_cast %add3A_303 : i32 to index
        %get3A_352 = arith.constant 96 : index
        %get3A_353 = tpu.vector_load %arg8[%get3A_351, %get3A_352] {strides = array<i32>} : memref<128x128xf32, #tpu.memory_space<vmem>>, vector<16xf32>,
        %get3A_354 = arith.index_cast %add3A_303 : i32 to index
        %get3A_355 = arith.constant 96 : index
        %get3A_356 = tpu.vector_load %arg9[%get3A_354, %get3A_355] {strides = array<i32>} : memref<128x128xf32, #tpu.memory_space<vmem>>, vector<16xf32>,
        %mul3A_357 = arith.mulf %get3A_353, %get3A_356 : vector<16xf32>
        %add3A_358 = arith.addf %add3A_350, %mul3A_357 : vector<16xf32>
        %get3A_359 = arith.index_cast %add3A_303 : i32 to index
        %get3A_360 = arith.constant 112 : index
        %get3A_361 = tpu.vector_load %arg8[%get3A_359, %get3A_360] {strides = array<i32>} : memref<128x128xf32, #tpu.memory_space<vmem>>, vector<16xf32>,
        %get3A_362 = arith.index_cast %add3A_303 : i32 to index
        %get3A_363 = arith.constant 112 : index
        %get3A_364 = tpu.vector_load %arg9[%get3A_362, %get3A_363] {strides = array<i32>} : memref<128x128xf32, #tpu.memory_space<vmem>>, vector<16xf32>,
        %mul3A_365 = arith.mulf %get3A_361, %get3A_364 : vector<16xf32>
        %add3A_366 = arith.addf %add3A_358, %mul3A_365 : vector<16xf32>
        %swap3A_367 = arith.constant 64 : index
        %swap3A_368 = tpu.vector_load %arg10[%swap3A_367] {strides = array<i32>} : memref<256xf32, #tpu.memory_space<vmem>>, vector<16xf32>,
        tpu.vector_store %arg10[%swap3A_367], %add3A_366 {strides = array<i32>} : memref<256xf32, #tpu.memory_space<vmem>>, vector<16xf32>,
        %add3A_369 = arith.constant 5 : i32
        %add3A_370 = arith.addi %mul3A_35, %add3A_369 : i32
        %get3A_371 = arith.index_cast %add3A_370 : i32 to index
        %get3A_372 = arith.constant 0 : index
        %get3A_373 = tpu.vector_load %arg8[%get3A_371, %get3A_372] {strides = array<i32>} : memref<128x128xf32, #tpu.memory_space<vmem>>, vector<16xf32>,
        %get3A_374 = arith.index_cast %add3A_370 : i32 to index
        %get3A_375 = arith.constant 0 : index
        %get3A_376 = tpu.vector_load %arg9[%get3A_374, %get3A_375] {strides = array<i32>} : memref<128x128xf32, #tpu.memory_space<vmem>>, vector<16xf32>,
        %mul3A_377 = arith.mulf %get3A_373, %get3A_376 : vector<16xf32>
        %get3A_378 = arith.index_cast %add3A_370 : i32 to index
        %get3A_379 = arith.constant 16 : index
        %get3A_380 = tpu.vector_load %arg8[%get3A_378, %get3A_379] {strides = array<i32>} : memref<128x128xf32, #tpu.memory_space<vmem>>, vector<16xf32>,
        %get3A_381 = arith.index_cast %add3A_370 : i32 to index
        %get3A_382 = arith.constant 16 : index
        %get3A_383 = tpu.vector_load %arg9[%get3A_381, %get3A_382] {strides = array<i32>} : memref<128x128xf32, #tpu.memory_space<vmem>>, vector<16xf32>,
        %mul3A_384 = arith.mulf %get3A_380, %get3A_383 : vector<16xf32>
        %add3A_385 = arith.addf %mul3A_377, %mul3A_384 : vector<16xf32>
        %get3A_386 = arith.index_cast %add3A_370 : i32 to index
        %get3A_387 = arith.constant 32 : index
        %get3A_388 = tpu.vector_load %arg8[%get3A_386, %get3A_387] {strides = array<i32>} : memref<128x128xf32, #tpu.memory_space<vmem>>, vector<16xf32>,
        %get3A_389 = arith.index_cast %add3A_370 : i32 to index
        %get3A_390 = arith.constant 32 : index
        %get3A_391 = tpu.vector_load %arg9[%get3A_389, %get3A_390] {strides = array<i32>} : memref<128x128xf32, #tpu.memory_space<vmem>>, vector<16xf32>,
        %mul3A_392 = arith.mulf %get3A_388, %get3A_391 : vector<16xf32>
        %add3A_393 = arith.addf %add3A_385, %mul3A_392 : vector<16xf32>
        %get3A_394 = arith.index_cast %add3A_370 : i32 to index
        %get3A_395 = arith.constant 48 : index
        %get3A_396 = tpu.vector_load %arg8[%get3A_394, %get3A_395] {strides = array<i32>} : memref<128x128xf32, #tpu.memory_space<vmem>>, vector<16xf32>,
        %get3A_397 = arith.index_cast %add3A_370 : i32 to index
        %get3A_398 = arith.constant 48 : index
        %get3A_399 = tpu.vector_load %arg9[%get3A_397, %get3A_398] {strides = array<i32>} : memref<128x128xf32, #tpu.memory_space<vmem>>, vector<16xf32>,
        %mul3A_400 = arith.mulf %get3A_396, %get3A_399 : vector<16xf32>
        %add3A_401 = arith.addf %add3A_393, %mul3A_400 : vector<16xf32>
        %get3A_402 = arith.index_cast %add3A_370 : i32 to index
        %get3A_403 = arith.constant 64 : index
        %get3A_404 = tpu.vector_load %arg8[%get3A_402, %get3A_403] {strides = array<i32>} : memref<128x128xf32, #tpu.memory_space<vmem>>, vector<16xf32>,
        %get3A_405 = arith.index_cast %add3A_370 : i32 to index
        %get3A_406 = arith.constant 64 : index
        %get3A_407 = tpu.vector_load %arg9[%get3A_405, %get3A_406] {strides = array<i32>} : memref<128x128xf32, #tpu.memory_space<vmem>>, vector<16xf32>,
        %mul3A_408 = arith.mulf %get3A_404, %get3A_407 : vector<16xf32>
        %add3A_409 = arith.addf %add3A_401, %mul3A_408 : vector<16xf32>
        %get3A_410 = arith.index_cast %add3A_370 : i32 to index
        %get3A_411 = arith.constant 80 : index
        %get3A_412 = tpu.vector_load %arg8[%get3A_410, %get3A_411] {strides = array<i32>} : memref<128x128xf32, #tpu.memory_space<vmem>>, vector<16xf32>,
        %get3A_413 = arith.index_cast %add3A_370 : i32 to index
        %get3A_414 = arith.constant 80 : index
        %get3A_415 = tpu.vector_load %arg9[%get3A_413, %get3A_414] {strides = array<i32>} : memref<128x128xf32, #tpu.memory_space<vmem>>, vector<16xf32>,
        %mul3A_416 = arith.mulf %get3A_412, %get3A_415 : vector<16xf32>
        %add3A_417 = arith.addf %add3A_409, %mul3A_416 : vector<16xf32>
        %get3A_418 = arith.index_cast %add3A_370 : i32 to index
        %get3A_419 = arith.constant 96 : index
        %get3A_420 = tpu.vector_load %arg8[%get3A_418, %get3A_419] {strides = array<i32>} : memref<128x128xf32, #tpu.memory_space<vmem>>, vector<16xf32>,
        %get3A_421 = arith.index_cast %add3A_370 : i32 to index
        %get3A_422 = arith.constant 96 : index
        %get3A_423 = tpu.vector_load %arg9[%get3A_421, %get3A_422] {strides = array<i32>} : memref<128x128xf32, #tpu.memory_space<vmem>>, vector<16xf32>,
        %mul3A_424 = arith.mulf %get3A_420, %get3A_423 : vector<16xf32>
        %add3A_425 = arith.addf %add3A_417, %mul3A_424 : vector<16xf32>
        %get3A_426 = arith.index_cast %add3A_370 : i32 to index
        %get3A_427 = arith.constant 112 : index
        %get3A_428 = tpu.vector_load %arg8[%get3A_426, %get3A_427] {strides = array<i32>} : memref<128x128xf32, #tpu.memory_space<vmem>>, vector<16xf32>,
        %get3A_429 = arith.index_cast %add3A_370 : i32 to index
        %get3A_430 = arith.constant 112 : index
        %get3A_431 = tpu.vector_load %arg9[%get3A_429, %get3A_430] {strides = array<i32>} : memref<128x128xf32, #tpu.memory_space<vmem>>, vector<16xf32>,
        %mul3A_432 = arith.mulf %get3A_428, %get3A_431 : vector<16xf32>
        %add3A_433 = arith.addf %add3A_425, %mul3A_432 : vector<16xf32>
        %swap3A_434 = arith.constant 80 : index
        %swap3A_435 = tpu.vector_load %arg10[%swap3A_434] {strides = array<i32>} : memref<256xf32, #tpu.memory_space<vmem>>, vector<16xf32>,
        tpu.vector_store %arg10[%swap3A_434], %add3A_433 {strides = array<i32>} : memref<256xf32, #tpu.memory_space<vmem>>, vector<16xf32>,
        %add3A_436 = arith.constant 6 : i32
        %add3A_437 = arith.addi %mul3A_35, %add3A_436 : i32
        %get3A_438 = arith.index_cast %add3A_437 : i32 to index
        %get3A_439 = arith.constant 0 : index
        %get3A_440 = tpu.vector_load %arg8[%get3A_438, %get3A_439] {strides = array<i32>} : memref<128x128xf32, #tpu.memory_space<vmem>>, vector<16xf32>,
        %get3A_441 = arith.index_cast %add3A_437 : i32 to index
        %get3A_442 = arith.constant 0 : index
        %get3A_443 = tpu.vector_load %arg9[%get3A_441, %get3A_442] {strides = array<i32>} : memref<128x128xf32, #tpu.memory_space<vmem>>, vector<16xf32>,
        %mul3A_444 = arith.mulf %get3A_440, %get3A_443 : vector<16xf32>
        %get3A_445 = arith.index_cast %add3A_437 : i32 to index
        %get3A_446 = arith.constant 16 : index
        %get3A_447 = tpu.vector_load %arg8[%get3A_445, %get3A_446] {strides = array<i32>} : memref<128x128xf32, #tpu.memory_space<vmem>>, vector<16xf32>,
        %get3A_448 = arith.index_cast %add3A_437 : i32 to index
        %get3A_449 = arith.constant 16 : index
        %get3A_450 = tpu.vector_load %arg9[%get3A_448, %get3A_449] {strides = array<i32>} : memref<128x128xf32, #tpu.memory_space<vmem>>, vector<16xf32>,
        %mul3A_451 = arith.mulf %get3A_447, %get3A_450 : vector<16xf32>
        %add3A_452 = arith.addf %mul3A_444, %mul3A_451 : vector<16xf32>
        %get3A_453 = arith.index_cast %add3A_437 : i32 to index
        %get3A_454 = arith.constant 32 : index
        %get3A_455 = tpu.vector_load %arg8[%get3A_453, %get3A_454] {strides = array<i32>} : memref<128x128xf32, #tpu.memory_space<vmem>>, vector<16xf32>,
        %get3A_456 = arith.index_cast %add3A_437 : i32 to index
        %get3A_457 = arith.constant 32 : index
        %get3A_458 = tpu.vector_load %arg9[%get3A_456, %get3A_457] {strides = array<i32>} : memref<128x128xf32, #tpu.memory_space<vmem>>, vector<16xf32>,
        %mul3A_459 = arith.mulf %get3A_455, %get3A_458 : vector<16xf32>
        %add3A_460 = arith.addf %add3A_452, %mul3A_459 : vector<16xf32>
        %get3A_461 = arith.index_cast %add3A_437 : i32 to index
        %get3A_462 = arith.constant 48 : index
        %get3A_463 = tpu.vector_load %arg8[%get3A_461, %get3A_462] {strides = array<i32>} : memref<128x128xf32, #tpu.memory_space<vmem>>, vector<16xf32>,
        %get3A_464 = arith.index_cast %add3A_437 : i32 to index
        %get3A_465 = arith.constant 48 : index
        %get3A_466 = tpu.vector_load %arg9[%get3A_464, %get3A_465] {strides = array<i32>} : memref<128x128xf32, #tpu.memory_space<vmem>>, vector<16xf32>,
        %mul3A_467 = arith.mulf %get3A_463, %get3A_466 : vector<16xf32>
        %add3A_468 = arith.addf %add3A_460, %mul3A_467 : vector<16xf32>
        %get3A_469 = arith.index_cast %add3A_437 : i32 to index
        %get3A_470 = arith.constant 64 : index
        %get3A_471 = tpu.vector_load %arg8[%get3A_469, %get3A_470] {strides = array<i32>} : memref<128x128xf32, #tpu.memory_space<vmem>>, vector<16xf32>,
        %get3A_472 = arith.index_cast %add3A_437 : i32 to index
        %get3A_473 = arith.constant 64 : index
        %get3A_474 = tpu.vector_load %arg9[%get3A_472, %get3A_473] {strides = array<i32>} : memref<128x128xf32, #tpu.memory_space<vmem>>, vector<16xf32>,
        %mul3A_475 = arith.mulf %get3A_471, %get3A_474 : vector<16xf32>
        %add3A_476 = arith.addf %add3A_468, %mul3A_475 : vector<16xf32>
        %get3A_477 = arith.index_cast %add3A_437 : i32 to index
        %get3A_478 = arith.constant 80 : index
        %get3A_479 = tpu.vector_load %arg8[%get3A_477, %get3A_478] {strides = array<i32>} : memref<128x128xf32, #tpu.memory_space<vmem>>, vector<16xf32>,
        %get3A_480 = arith.index_cast %add3A_437 : i32 to index
        %get3A_481 = arith.constant 80 : index
        %get3A_482 = tpu.vector_load %arg9[%get3A_480, %get3A_481] {strides = array<i32>} : memref<128x128xf32, #tpu.memory_space<vmem>>, vector<16xf32>,
        %mul3A_483 = arith.mulf %get3A_479, %get3A_482 : vector<16xf32>
        %add3A_484 = arith.addf %add3A_476, %mul3A_483 : vector<16xf32>
        %get3A_485 = arith.index_cast %add3A_437 : i32 to index
        %get3A_486 = arith.constant 96 : index
        %get3A_487 = tpu.vector_load %arg8[%get3A_485, %get3A_486] {strides = array<i32>} : memref<128x128xf32, #tpu.memory_space<vmem>>, vector<16xf32>,
        %get3A_488 = arith.index_cast %add3A_437 : i32 to index
        %get3A_489 = arith.constant 96 : index
        %get3A_490 = tpu.vector_load %arg9[%get3A_488, %get3A_489] {strides = array<i32>} : memref<128x128xf32, #tpu.memory_space<vmem>>, vector<16xf32>,
        %mul3A_491 = arith.mulf %get3A_487, %get3A_490 : vector<16xf32>
        %add3A_492 = arith.addf %add3A_484, %mul3A_491 : vector<16xf32>
        %get3A_493 = arith.index_cast %add3A_437 : i32 to index
        %get3A_494 = arith.constant 112 : index
        %get3A_495 = tpu.vector_load %arg8[%get3A_493, %get3A_494] {strides = array<i32>} : memref<128x128xf32, #tpu.memory_space<vmem>>, vector<16xf32>,
        %get3A_496 = arith.index_cast %add3A_437 : i32 to index
        %get3A_497 = arith.constant 112 : index
        %get3A_498 = tpu.vector_load %arg9[%get3A_496, %get3A_497] {strides = array<i32>} : memref<128x128xf32, #tpu.memory_space<vmem>>, vector<16xf32>,
        %mul3A_499 = arith.mulf %get3A_495, %get3A_498 : vector<16xf32>
        %add3A_500 = arith.addf %add3A_492, %mul3A_499 : vector<16xf32>
        %swap3A_501 = arith.constant 96 : index
        %swap3A_502 = tpu.vector_load %arg10[%swap3A_501] {strides = array<i32>} : memref<256xf32, #tpu.memory_space<vmem>>, vector<16xf32>,
        tpu.vector_store %arg10[%swap3A_501], %add3A_500 {strides = array<i32>} : memref<256xf32, #tpu.memory_space<vmem>>, vector<16xf32>,
        %add3A_503 = arith.constant 7 : i32
        %add3A_504 = arith.addi %mul3A_35, %add3A_503 : i32
        %get3A_505 = arith.index_cast %add3A_504 : i32 to index
        %get3A_506 = arith.constant 0 : index
        %get3A_507 = tpu.vector_load %arg8[%get3A_505, %get3A_506] {strides = array<i32>} : memref<128x128xf32, #tpu.memory_space<vmem>>, vector<16xf32>,
        %get3A_508 = arith.index_cast %add3A_504 : i32 to index
        %get3A_509 = arith.constant 0 : index
        %get3A_510 = tpu.vector_load %arg9[%get3A_508, %get3A_509] {strides = array<i32>} : memref<128x128xf32, #tpu.memory_space<vmem>>, vector<16xf32>,
        %mul3A_511 = arith.mulf %get3A_507, %get3A_510 : vector<16xf32>
        %get3A_512 = arith.index_cast %add3A_504 : i32 to index
        %get3A_513 = arith.constant 16 : index
        %get3A_514 = tpu.vector_load %arg8[%get3A_512, %get3A_513] {strides = array<i32>} : memref<128x128xf32, #tpu.memory_space<vmem>>, vector<16xf32>,
        %get3A_515 = arith.index_cast %add3A_504 : i32 to index
        %get3A_516 = arith.constant 16 : index
        %get3A_517 = tpu.vector_load %arg9[%get3A_515, %get3A_516] {strides = array<i32>} : memref<128x128xf32, #tpu.memory_space<vmem>>, vector<16xf32>,
        %mul3A_518 = arith.mulf %get3A_514, %get3A_517 : vector<16xf32>
        %add3A_519 = arith.addf %mul3A_511, %mul3A_518 : vector<16xf32>
        %get3A_520 = arith.index_cast %add3A_504 : i32 to index
        %get3A_521 = arith.constant 32 : index
        %get3A_522 = tpu.vector_load %arg8[%get3A_520, %get3A_521] {strides = array<i32>} : memref<128x128xf32, #tpu.memory_space<vmem>>, vector<16xf32>,
        %get3A_523 = arith.index_cast %add3A_504 : i32 to index
        %get3A_524 = arith.constant 32 : index
        %get3A_525 = tpu.vector_load %arg9[%get3A_523, %get3A_524] {strides = array<i32>} : memref<128x128xf32, #tpu.memory_space<vmem>>, vector<16xf32>,
        %mul3A_526 = arith.mulf %get3A_522, %get3A_525 : vector<16xf32>
        %add3A_527 = arith.addf %add3A_519, %mul3A_526 : vector<16xf32>
        %get3A_528 = arith.index_cast %add3A_504 : i32 to index
        %get3A_529 = arith.constant 48 : index
        %get3A_530 = tpu.vector_load %arg8[%get3A_528, %get3A_529] {strides = array<i32>} : memref<128x128xf32, #tpu.memory_space<vmem>>, vector<16xf32>,
        %get3A_531 = arith.index_cast %add3A_504 : i32 to index
        %get3A_532 = arith.constant 48 : index
        %get3A_533 = tpu.vector_load %arg9[%get3A_531, %get3A_532] {strides = array<i32>} : memref<128x128xf32, #tpu.memory_space<vmem>>, vector<16xf32>,
        %mul3A_534 = arith.mulf %get3A_530, %get3A_533 : vector<16xf32>
        %add3A_535 = arith.addf %add3A_527, %mul3A_534 : vector<16xf32>
        %get3A_536 = arith.index_cast %add3A_504 : i32 to index
        %get3A_537 = arith.constant 64 : index
        %get3A_538 = tpu.vector_load %arg8[%get3A_536, %get3A_537] {strides = array<i32>} : memref<128x128xf32, #tpu.memory_space<vmem>>, vector<16xf32>,
        %get3A_539 = arith.index_cast %add3A_504 : i32 to index
        %get3A_540 = arith.constant 64 : index
        %get3A_541 = tpu.vector_load %arg9[%get3A_539, %get3A_540] {strides = array<i32>} : memref<128x128xf32, #tpu.memory_space<vmem>>, vector<16xf32>,
        %mul3A_542 = arith.mulf %get3A_538, %get3A_541 : vector<16xf32>
        %add3A_543 = arith.addf %add3A_535, %mul3A_542 : vector<16xf32>
        %get3A_544 = arith.index_cast %add3A_504 : i32 to index
        %get3A_545 = arith.constant 80 : index
        %get3A_546 = tpu.vector_load %arg8[%get3A_544, %get3A_545] {strides = array<i32>} : memref<128x128xf32, #tpu.memory_space<vmem>>, vector<16xf32>,
        %get3A_547 = arith.index_cast %add3A_504 : i32 to index
        %get3A_548 = arith.constant 80 : index
        %get3A_549 = tpu.vector_load %arg9[%get3A_547, %get3A_548] {strides = array<i32>} : memref<128x128xf32, #tpu.memory_space<vmem>>, vector<16xf32>,
        %mul3A_550 = arith.mulf %get3A_546, %get3A_549 : vector<16xf32>
        %add3A_551 = arith.addf %add3A_543, %mul3A_550 : vector<16xf32>
        %get3A_552 = arith.index_cast %add3A_504 : i32 to index
        %get3A_553 = arith.constant 96 : index
        %get3A_554 = tpu.vector_load %arg8[%get3A_552, %get3A_553] {strides = array<i32>} : memref<128x128xf32, #tpu.memory_space<vmem>>, vector<16xf32>,
        %get3A_555 = arith.index_cast %add3A_504 : i32 to index
        %get3A_556 = arith.constant 96 : index
        %get3A_557 = tpu.vector_load %arg9[%get3A_555, %get3A_556] {strides = array<i32>} : memref<128x128xf32, #tpu.memory_space<vmem>>, vector<16xf32>,
        %mul3A_558 = arith.mulf %get3A_554, %get3A_557 : vector<16xf32>
        %add3A_559 = arith.addf %add3A_551, %mul3A_558 : vector<16xf32>
        %get3A_560 = arith.index_cast %add3A_504 : i32 to index
        %get3A_561 = arith.constant 112 : index
        %get3A_562 = tpu.vector_load %arg8[%get3A_560, %get3A_561] {strides = array<i32>} : memref<128x128xf32, #tpu.memory_space<vmem>>, vector<16xf32>,
        %get3A_563 = arith.index_cast %add3A_504 : i32 to index
        %get3A_564 = arith.constant 112 : index
        %get3A_565 = tpu.vector_load %arg9[%get3A_563, %get3A_564] {strides = array<i32>} : memref<128x128xf32, #tpu.memory_space<vmem>>, vector<16xf32>,
        %mul3A_566 = arith.mulf %get3A_562, %get3A_565 : vector<16xf32>
        %add3A_567 = arith.addf %add3A_559, %mul3A_566 : vector<16xf32>
        %swap3A_568 = arith.constant 112 : index
        %swap3A_569 = tpu.vector_load %arg10[%swap3A_568] {strides = array<i32>} : memref<256xf32, #tpu.memory_space<vmem>>, vector<16xf32>,
        tpu.vector_store %arg10[%swap3A_568], %add3A_567 {strides = array<i32>} : memref<256xf32, #tpu.memory_space<vmem>>, vector<16xf32>,
        %add3A_570 = arith.constant 8 : i32
        %add3A_571 = arith.addi %mul3A_35, %add3A_570 : i32
        %get3A_572 = arith.index_cast %add3A_571 : i32 to index
        %get3A_573 = arith.constant 0 : index
        %get3A_574 = tpu.vector_load %arg8[%get3A_572, %get3A_573] {strides = array<i32>} : memref<128x128xf32, #tpu.memory_space<vmem>>, vector<16xf32>,
        %get3A_575 = arith.index_cast %add3A_571 : i32 to index
        %get3A_576 = arith.constant 0 : index
        %get3A_577 = tpu.vector_load %arg9[%get3A_575, %get3A_576] {strides = array<i32>} : memref<128x128xf32, #tpu.memory_space<vmem>>, vector<16xf32>,
        %mul3A_578 = arith.mulf %get3A_574, %get3A_577 : vector<16xf32>
        %get3A_579 = arith.index_cast %add3A_571 : i32 to index
        %get3A_580 = arith.constant 16 : index
        %get3A_581 = tpu.vector_load %arg8[%get3A_579, %get3A_580] {strides = array<i32>} : memref<128x128xf32, #tpu.memory_space<vmem>>, vector<16xf32>,
        %get3A_582 = arith.index_cast %add3A_571 : i32 to index
        %get3A_583 = arith.constant 16 : index
        %get3A_584 = tpu.vector_load %arg9[%get3A_582, %get3A_583] {strides = array<i32>} : memref<128x128xf32, #tpu.memory_space<vmem>>, vector<16xf32>,
        %mul3A_585 = arith.mulf %get3A_581, %get3A_584 : vector<16xf32>
        %add3A_586 = arith.addf %mul3A_578, %mul3A_585 : vector<16xf32>
        %get3A_587 = arith.index_cast %add3A_571 : i32 to index
        %get3A_588 = arith.constant 32 : index
        %get3A_589 = tpu.vector_load %arg8[%get3A_587, %get3A_588] {strides = array<i32>} : memref<128x128xf32, #tpu.memory_space<vmem>>, vector<16xf32>,
        %get3A_590 = arith.index_cast %add3A_571 : i32 to index
        %get3A_591 = arith.constant 32 : index
        %get3A_592 = tpu.vector_load %arg9[%get3A_590, %get3A_591] {strides = array<i32>} : memref<128x128xf32, #tpu.memory_space<vmem>>, vector<16xf32>,
        %mul3A_593 = arith.mulf %get3A_589, %get3A_592 : vector<16xf32>
        %add3A_594 = arith.addf %add3A_586, %mul3A_593 : vector<16xf32>
        %get3A_595 = arith.index_cast %add3A_571 : i32 to index
        %get3A_596 = arith.constant 48 : index
        %get3A_597 = tpu.vector_load %arg8[%get3A_595, %get3A_596] {strides = array<i32>} : memref<128x128xf32, #tpu.memory_space<vmem>>, vector<16xf32>,
        %get3A_598 = arith.index_cast %add3A_571 : i32 to index
        %get3A_599 = arith.constant 48 : index
        %get3A_600 = tpu.vector_load %arg9[%get3A_598, %get3A_599] {strides = array<i32>} : memref<128x128xf32, #tpu.memory_space<vmem>>, vector<16xf32>,
        %mul3A_601 = arith.mulf %get3A_597, %get3A_600 : vector<16xf32>
        %add3A_602 = arith.addf %add3A_594, %mul3A_601 : vector<16xf32>
        %get3A_603 = arith.index_cast %add3A_571 : i32 to index
        %get3A_604 = arith.constant 64 : index
        %get3A_605 = tpu.vector_load %arg8[%get3A_603, %get3A_604] {strides = array<i32>} : memref<128x128xf32, #tpu.memory_space<vmem>>, vector<16xf32>,
        %get3A_606 = arith.index_cast %add3A_571 : i32 to index
        %get3A_607 = arith.constant 64 : index
        %get3A_608 = tpu.vector_load %arg9[%get3A_606, %get3A_607] {strides = array<i32>} : memref<128x128xf32, #tpu.memory_space<vmem>>, vector<16xf32>,
        %mul3A_609 = arith.mulf %get3A_605, %get3A_608 : vector<16xf32>
        %add3A_610 = arith.addf %add3A_602, %mul3A_609 : vector<16xf32>
        %get3A_611 = arith.index_cast %add3A_571 : i32 to index
        %get3A_612 = arith.constant 80 : index
        %get3A_613 = tpu.vector_load %arg8[%get3A_611, %get3A_612] {strides = array<i32>} : memref<128x128xf32, #tpu.memory_space<vmem>>, vector<16xf32>,
        %get3A_614 = arith.index_cast %add3A_571 : i32 to index
        %get3A_615 = arith.constant 80 : index
        %get3A_616 = tpu.vector_load %arg9[%get3A_614, %get3A_615] {strides = array<i32>} : memref<128x128xf32, #tpu.memory_space<vmem>>, vector<16xf32>,
        %mul3A_617 = arith.mulf %get3A_613, %get3A_616 : vector<16xf32>
        %add3A_618 = arith.addf %add3A_610, %mul3A_617 : vector<16xf32>
        %get3A_619 = arith.index_cast %add3A_571 : i32 to index
        %get3A_620 = arith.constant 96 : index
        %get3A_621 = tpu.vector_load %arg8[%get3A_619, %get3A_620] {strides = array<i32>} : memref<128x128xf32, #tpu.memory_space<vmem>>, vector<16xf32>,
        %get3A_622 = arith.index_cast %add3A_571 : i32 to index
        %get3A_623 = arith.constant 96 : index
        %get3A_624 = tpu.vector_load %arg9[%get3A_622, %get3A_623] {strides = array<i32>} : memref<128x128xf32, #tpu.memory_space<vmem>>, vector<16xf32>,
        %mul3A_625 = arith.mulf %get3A_621, %get3A_624 : vector<16xf32>
        %add3A_626 = arith.addf %add3A_618, %mul3A_625 : vector<16xf32>
        %get3A_627 = arith.index_cast %add3A_571 : i32 to index
        %get3A_628 = arith.constant 112 : index
        %get3A_629 = tpu.vector_load %arg8[%get3A_627, %get3A_628] {strides = array<i32>} : memref<128x128xf32, #tpu.memory_space<vmem>>, vector<16xf32>,
        %get3A_630 = arith.index_cast %add3A_571 : i32 to index
        %get3A_631 = arith.constant 112 : index
        %get3A_632 = tpu.vector_load %arg9[%get3A_630, %get3A_631] {strides = array<i32>} : memref<128x128xf32, #tpu.memory_space<vmem>>, vector<16xf32>,
        %mul3A_633 = arith.mulf %get3A_629, %get3A_632 : vector<16xf32>
        %add3A_634 = arith.addf %add3A_626, %mul3A_633 : vector<16xf32>
        %swap3A_635 = arith.constant 128 : index
        %swap3A_636 = tpu.vector_load %arg10[%swap3A_635] {strides = array<i32>} : memref<256xf32, #tpu.memory_space<vmem>>, vector<16xf32>,
        tpu.vector_store %arg10[%swap3A_635], %add3A_634 {strides = array<i32>} : memref<256xf32, #tpu.memory_space<vmem>>, vector<16xf32>,
        %add3A_637 = arith.constant 9 : i32
        %add3A_638 = arith.addi %mul3A_35, %add3A_637 : i32
        %get3A_639 = arith.index_cast %add3A_638 : i32 to index
        %get3A_640 = arith.constant 0 : index
        %get3A_641 = tpu.vector_load %arg8[%get3A_639, %get3A_640] {strides = array<i32>} : memref<128x128xf32, #tpu.memory_space<vmem>>, vector<16xf32>,
        %get3A_642 = arith.index_cast %add3A_638 : i32 to index
        %get3A_643 = arith.constant 0 : index
        %get3A_644 = tpu.vector_load %arg9[%get3A_642, %get3A_643] {strides = array<i32>} : memref<128x128xf32, #tpu.memory_space<vmem>>, vector<16xf32>,
        %mul3A_645 = arith.mulf %get3A_641, %get3A_644 : vector<16xf32>
        %get3A_646 = arith.index_cast %add3A_638 : i32 to index
        %get3A_647 = arith.constant 16 : index
        %get3A_648 = tpu.vector_load %arg8[%get3A_646, %get3A_647] {strides = array<i32>} : memref<128x128xf32, #tpu.memory_space<vmem>>, vector<16xf32>,
        %get3A_649 = arith.index_cast %add3A_638 : i32 to index
        %get3A_650 = arith.constant 16 : index
        %get3A_651 = tpu.vector_load %arg9[%get3A_649, %get3A_650] {strides = array<i32>} : memref<128x128xf32, #tpu.memory_space<vmem>>, vector<16xf32>,
        %mul3A_652 = arith.mulf %get3A_648, %get3A_651 : vector<16xf32>
        %add3A_653 = arith.addf %mul3A_645, %mul3A_652 : vector<16xf32>
        %get3A_654 = arith.index_cast %add3A_638 : i32 to index
        %get3A_655 = arith.constant 32 : index
        %get3A_656 = tpu.vector_load %arg8[%get3A_654, %get3A_655] {strides = array<i32>} : memref<128x128xf32, #tpu.memory_space<vmem>>, vector<16xf32>,
        %get3A_657 = arith.index_cast %add3A_638 : i32 to index
        %get3A_658 = arith.constant 32 : index
        %get3A_659 = tpu.vector_load %arg9[%get3A_657, %get3A_658] {strides = array<i32>} : memref<128x128xf32, #tpu.memory_space<vmem>>, vector<16xf32>,
        %mul3A_660 = arith.mulf %get3A_656, %get3A_659 : vector<16xf32>
        %add3A_661 = arith.addf %add3A_653, %mul3A_660 : vector<16xf32>
        %get3A_662 = arith.index_cast %add3A_638 : i32 to index
        %get3A_663 = arith.constant 48 : index
        %get3A_664 = tpu.vector_load %arg8[%get3A_662, %get3A_663] {strides = array<i32>} : memref<128x128xf32, #tpu.memory_space<vmem>>, vector<16xf32>,
        %get3A_665 = arith.index_cast %add3A_638 : i32 to index
        %get3A_666 = arith.constant 48 : index
        %get3A_667 = tpu.vector_load %arg9[%get3A_665, %get3A_666] {strides = array<i32>} : memref<128x128xf32, #tpu.memory_space<vmem>>, vector<16xf32>,
        %mul3A_668 = arith.mulf %get3A_664, %get3A_667 : vector<16xf32>
        %add3A_669 = arith.addf %add3A_661, %mul3A_668 : vector<16xf32>
        %get3A_670 = arith.index_cast %add3A_638 : i32 to index
        %get3A_671 = arith.constant 64 : index
        %get3A_672 = tpu.vector_load %arg8[%get3A_670, %get3A_671] {strides = array<i32>} : memref<128x128xf32, #tpu.memory_space<vmem>>, vector<16xf32>,
        %get3A_673 = arith.index_cast %add3A_638 : i32 to index
        %get3A_674 = arith.constant 64 : index
        %get3A_675 = tpu.vector_load %arg9[%get3A_673, %get3A_674] {strides = array<i32>} : memref<128x128xf32, #tpu.memory_space<vmem>>, vector<16xf32>,
        %mul3A_676 = arith.mulf %get3A_672, %get3A_675 : vector<16xf32>
        %add3A_677 = arith.addf %add3A_669, %mul3A_676 : vector<16xf32>
        %get3A_678 = arith.index_cast %add3A_638 : i32 to index
        %get3A_679 = arith.constant 80 : index
        %get3A_680 = tpu.vector_load %arg8[%get3A_678, %get3A_679] {strides = array<i32>} : memref<128x128xf32, #tpu.memory_space<vmem>>, vector<16xf32>,
        %get3A_681 = arith.index_cast %add3A_638 : i32 to index
        %get3A_682 = arith.constant 80 : index
        %get3A_683 = tpu.vector_load %arg9[%get3A_681, %get3A_682] {strides = array<i32>} : memref<128x128xf32, #tpu.memory_space<vmem>>, vector<16xf32>,
        %mul3A_684 = arith.mulf %get3A_680, %get3A_683 : vector<16xf32>
        %add3A_685 = arith.addf %add3A_677, %mul3A_684 : vector<16xf32>
        %get3A_686 = arith.index_cast %add3A_638 : i32 to index
        %get3A_687 = arith.constant 96 : index
        %get3A_688 = tpu.vector_load %arg8[%get3A_686, %get3A_687] {strides = array<i32>} : memref<128x128xf32, #tpu.memory_space<vmem>>, vector<16xf32>,
        %get3A_689 = arith.index_cast %add3A_638 : i32 to index
        %get3A_690 = arith.constant 96 : index
        %get3A_691 = tpu.vector_load %arg9[%get3A_689, %get3A_690] {strides = array<i32>} : memref<128x128xf32, #tpu.memory_space<vmem>>, vector<16xf32>,
        %mul3A_692 = arith.mulf %get3A_688, %get3A_691 : vector<16xf32>
        %add3A_693 = arith.addf %add3A_685, %mul3A_692 : vector<16xf32>
        %get3A_694 = arith.index_cast %add3A_638 : i32 to index
        %get3A_695 = arith.constant 112 : index
        %get3A_696 = tpu.vector_load %arg8[%get3A_694, %get3A_695] {strides = array<i32>} : memref<128x128xf32, #tpu.memory_space<vmem>>, vector<16xf32>,
        %get3A_697 = arith.index_cast %add3A_638 : i32 to index
        %get3A_698 = arith.constant 112 : index
        %get3A_699 = tpu.vector_load %arg9[%get3A_697, %get3A_698] {strides = array<i32>} : memref<128x128xf32, #tpu.memory_space<vmem>>, vector<16xf32>,
        %mul3A_700 = arith.mulf %get3A_696, %get3A_699 : vector<16xf32>
        %add3A_701 = arith.addf %add3A_693, %mul3A_700 : vector<16xf32>
        %swap3A_702 = arith.constant 144 : index
        %swap3A_703 = tpu.vector_load %arg10[%swap3A_702] {strides = array<i32>} : memref<256xf32, #tpu.memory_space<vmem>>, vector<16xf32>,
        tpu.vector_store %arg10[%swap3A_702], %add3A_701 {strides = array<i32>} : memref<256xf32, #tpu.memory_space<vmem>>, vector<16xf32>,
        %add3A_704 = arith.constant 10 : i32
        %add3A_705 = arith.addi %mul3A_35, %add3A_704 : i32
        %get3A_706 = arith.index_cast %add3A_705 : i32 to index
        %get3A_707 = arith.constant 0 : index
        %get3A_708 = tpu.vector_load %arg8[%get3A_706, %get3A_707] {strides = array<i32>} : memref<128x128xf32, #tpu.memory_space<vmem>>, vector<16xf32>,
        %get3A_709 = arith.index_cast %add3A_705 : i32 to index
        %get3A_710 = arith.constant 0 : index
        %get3A_711 = tpu.vector_load %arg9[%get3A_709, %get3A_710] {strides = array<i32>} : memref<128x128xf32, #tpu.memory_space<vmem>>, vector<16xf32>,
        %mul3A_712 = arith.mulf %get3A_708, %get3A_711 : vector<16xf32>
        %get3A_713 = arith.index_cast %add3A_705 : i32 to index
        %get3A_714 = arith.constant 16 : index
        %get3A_715 = tpu.vector_load %arg8[%get3A_713, %get3A_714] {strides = array<i32>} : memref<128x128xf32, #tpu.memory_space<vmem>>, vector<16xf32>,
        %get3A_716 = arith.index_cast %add3A_705 : i32 to index
        %get3A_717 = arith.constant 16 : index
        %get3A_718 = tpu.vector_load %arg9[%get3A_716, %get3A_717] {strides = array<i32>} : memref<128x128xf32, #tpu.memory_space<vmem>>, vector<16xf32>,
        %mul3A_719 = arith.mulf %get3A_715, %get3A_718 : vector<16xf32>
        %add3A_720 = arith.addf %mul3A_712, %mul3A_719 : vector<16xf32>
        %get3A_721 = arith.index_cast %add3A_705 : i32 to index
        %get3A_722 = arith.constant 32 : index
        %get3A_723 = tpu.vector_load %arg8[%get3A_721, %get3A_722] {strides = array<i32>} : memref<128x128xf32, #tpu.memory_space<vmem>>, vector<16xf32>,
        %get3A_724 = arith.index_cast %add3A_705 : i32 to index
        %get3A_725 = arith.constant 32 : index
        %get3A_726 = tpu.vector_load %arg9[%get3A_724, %get3A_725] {strides = array<i32>} : memref<128x128xf32, #tpu.memory_space<vmem>>, vector<16xf32>,
        %mul3A_727 = arith.mulf %get3A_723, %get3A_726 : vector<16xf32>
        %add3A_728 = arith.addf %add3A_720, %mul3A_727 : vector<16xf32>
        %get3A_729 = arith.index_cast %add3A_705 : i32 to index
        %get3A_730 = arith.constant 48 : index
        %get3A_731 = tpu.vector_load %arg8[%get3A_729, %get3A_730] {strides = array<i32>} : memref<128x128xf32, #tpu.memory_space<vmem>>, vector<16xf32>,
        %get3A_732 = arith.index_cast %add3A_705 : i32 to index
        %get3A_733 = arith.constant 48 : index
        %get3A_734 = tpu.vector_load %arg9[%get3A_732, %get3A_733] {strides = array<i32>} : memref<128x128xf32, #tpu.memory_space<vmem>>, vector<16xf32>,
        %mul3A_735 = arith.mulf %get3A_731, %get3A_734 : vector<16xf32>
        %add3A_736 = arith.addf %add3A_728, %mul3A_735 : vector<16xf32>
        %get3A_737 = arith.index_cast %add3A_705 : i32 to index
        %get3A_738 = arith.constant 64 : index
        %get3A_739 = tpu.vector_load %arg8[%get3A_737, %get3A_738] {strides = array<i32>} : memref<128x128xf32, #tpu.memory_space<vmem>>, vector<16xf32>,
        %get3A_740 = arith.index_cast %add3A_705 : i32 to index
        %get3A_741 = arith.constant 64 : index
        %get3A_742 = tpu.vector_load %arg9[%get3A_740, %get3A_741] {strides = array<i32>} : memref<128x128xf32, #tpu.memory_space<vmem>>, vector<16xf32>,
        %mul3A_743 = arith.mulf %get3A_739, %get3A_742 : vector<16xf32>
        %add3A_744 = arith.addf %add3A_736, %mul3A_743 : vector<16xf32>
        %get3A_745 = arith.index_cast %add3A_705 : i32 to index
        %get3A_746 = arith.constant 80 : index
        %get3A_747 = tpu.vector_load %arg8[%get3A_745, %get3A_746] {strides = array<i32>} : memref<128x128xf32, #tpu.memory_space<vmem>>, vector<16xf32>,
        %get3A_748 = arith.index_cast %add3A_705 : i32 to index
        %get3A_749 = arith.constant 80 : index
        %get3A_750 = tpu.vector_load %arg9[%get3A_748, %get3A_749] {strides = array<i32>} : memref<128x128xf32, #tpu.memory_space<vmem>>, vector<16xf32>,
        %mul3A_751 = arith.mulf %get3A_747, %get3A_750 : vector<16xf32>
        %add3A_752 = arith.addf %add3A_744, %mul3A_751 : vector<16xf32>
        %get3A_753 = arith.index_cast %add3A_705 : i32 to index
        %get3A_754 = arith.constant 96 : index
        %get3A_755 = tpu.vector_load %arg8[%get3A_753, %get3A_754] {strides = array<i32>} : memref<128x128xf32, #tpu.memory_space<vmem>>, vector<16xf32>,
        %get3A_756 = arith.index_cast %add3A_705 : i32 to index
        %get3A_757 = arith.constant 96 : index
        %get3A_758 = tpu.vector_load %arg9[%get3A_756, %get3A_757] {strides = array<i32>} : memref<128x128xf32, #tpu.memory_space<vmem>>, vector<16xf32>,
        %mul3A_759 = arith.mulf %get3A_755, %get3A_758 : vector<16xf32>
        %add3A_760 = arith.addf %add3A_752, %mul3A_759 : vector<16xf32>
        %get3A_761 = arith.index_cast %add3A_705 : i32 to index
        %get3A_762 = arith.constant 112 : index
        %get3A_763 = tpu.vector_load %arg8[%get3A_761, %get3A_762] {strides = array<i32>} : memref<128x128xf32, #tpu.memory_space<vmem>>, vector<16xf32>,
        %get3A_764 = arith.index_cast %add3A_705 : i32 to index
        %get3A_765 = arith.constant 112 : index
        %get3A_766 = tpu.vector_load %arg9[%get3A_764, %get3A_765] {strides = array<i32>} : memref<128x128xf32, #tpu.memory_space<vmem>>, vector<16xf32>,
        %mul3A_767 = arith.mulf %get3A_763, %get3A_766 : vector<16xf32>
        %add3A_768 = arith.addf %add3A_760, %mul3A_767 : vector<16xf32>
        %swap3A_769 = arith.constant 160 : index
        %swap3A_770 = tpu.vector_load %arg10[%swap3A_769] {strides = array<i32>} : memref<256xf32, #tpu.memory_space<vmem>>, vector<16xf32>,
        tpu.vector_store %arg10[%swap3A_769], %add3A_768 {strides = array<i32>} : memref<256xf32, #tpu.memory_space<vmem>>, vector<16xf32>,
        %add3A_771 = arith.constant 11 : i32
        %add3A_772 = arith.addi %mul3A_35, %add3A_771 : i32
        %get3A_773 = arith.index_cast %add3A_772 : i32 to index
        %get3A_774 = arith.constant 0 : index
        %get3A_775 = tpu.vector_load %arg8[%get3A_773, %get3A_774] {strides = array<i32>} : memref<128x128xf32, #tpu.memory_space<vmem>>, vector<16xf32>,
        %get3A_776 = arith.index_cast %add3A_772 : i32 to index
        %get3A_777 = arith.constant 0 : index
        %get3A_778 = tpu.vector_load %arg9[%get3A_776, %get3A_777] {strides = array<i32>} : memref<128x128xf32, #tpu.memory_space<vmem>>, vector<16xf32>,
        %mul3A_779 = arith.mulf %get3A_775, %get3A_778 : vector<16xf32>
        %get3A_780 = arith.index_cast %add3A_772 : i32 to index
        %get3A_781 = arith.constant 16 : index
        %get3A_782 = tpu.vector_load %arg8[%get3A_780, %get3A_781] {strides = array<i32>} : memref<128x128xf32, #tpu.memory_space<vmem>>, vector<16xf32>,
        %get3A_783 = arith.index_cast %add3A_772 : i32 to index
        %get3A_784 = arith.constant 16 : index
        %get3A_785 = tpu.vector_load %arg9[%get3A_783, %get3A_784] {strides = array<i32>} : memref<128x128xf32, #tpu.memory_space<vmem>>, vector<16xf32>,
        %mul3A_786 = arith.mulf %get3A_782, %get3A_785 : vector<16xf32>
        %add3A_787 = arith.addf %mul3A_779, %mul3A_786 : vector<16xf32>
        %get3A_788 = arith.index_cast %add3A_772 : i32 to index
        %get3A_789 = arith.constant 32 : index
        %get3A_790 = tpu.vector_load %arg8[%get3A_788, %get3A_789] {strides = array<i32>} : memref<128x128xf32, #tpu.memory_space<vmem>>, vector<16xf32>,
        %get3A_791 = arith.index_cast %add3A_772 : i32 to index
        %get3A_792 = arith.constant 32 : index
        %get3A_793 = tpu.vector_load %arg9[%get3A_791, %get3A_792] {strides = array<i32>} : memref<128x128xf32, #tpu.memory_space<vmem>>, vector<16xf32>,
        %mul3A_794 = arith.mulf %get3A_790, %get3A_793 : vector<16xf32>
        %add3A_795 = arith.addf %add3A_787, %mul3A_794 : vector<16xf32>
        %get3A_796 = arith.index_cast %add3A_772 : i32 to index
        %get3A_797 = arith.constant 48 : index
        %get3A_798 = tpu.vector_load %arg8[%get3A_796, %get3A_797] {strides = array<i32>} : memref<128x128xf32, #tpu.memory_space<vmem>>, vector<16xf32>,
        %get3A_799 = arith.index_cast %add3A_772 : i32 to index
        %get3A_800 = arith.constant 48 : index
        %get3A_801 = tpu.vector_load %arg9[%get3A_799, %get3A_800] {strides = array<i32>} : memref<128x128xf32, #tpu.memory_space<vmem>>, vector<16xf32>,
        %mul3A_802 = arith.mulf %get3A_798, %get3A_801 : vector<16xf32>
        %add3A_803 = arith.addf %add3A_795, %mul3A_802 : vector<16xf32>
        %get3A_804 = arith.index_cast %add3A_772 : i32 to index
        %get3A_805 = arith.constant 64 : index
        %get3A_806 = tpu.vector_load %arg8[%get3A_804, %get3A_805] {strides = array<i32>} : memref<128x128xf32, #tpu.memory_space<vmem>>, vector<16xf32>,
        %get3A_807 = arith.index_cast %add3A_772 : i32 to index
        %get3A_808 = arith.constant 64 : index
        %get3A_809 = tpu.vector_load %arg9[%get3A_807, %get3A_808] {strides = array<i32>} : memref<128x128xf32, #tpu.memory_space<vmem>>, vector<16xf32>,
        %mul3A_810 = arith.mulf %get3A_806, %get3A_809 : vector<16xf32>
        %add3A_811 = arith.addf %add3A_803, %mul3A_810 : vector<16xf32>
        %get3A_812 = arith.index_cast %add3A_772 : i32 to index
        %get3A_813 = arith.constant 80 : index
        %get3A_814 = tpu.vector_load %arg8[%get3A_812, %get3A_813] {strides = array<i32>} : memref<128x128xf32, #tpu.memory_space<vmem>>, vector<16xf32>,
        %get3A_815 = arith.index_cast %add3A_772 : i32 to index
        %get3A_816 = arith.constant 80 : index
        %get3A_817 = tpu.vector_load %arg9[%get3A_815, %get3A_816] {strides = array<i32>} : memref<128x128xf32, #tpu.memory_space<vmem>>, vector<16xf32>,
        %mul3A_818 = arith.mulf %get3A_814, %get3A_817 : vector<16xf32>
        %add3A_819 = arith.addf %add3A_811, %mul3A_818 : vector<16xf32>
        %get3A_820 = arith.index_cast %add3A_772 : i32 to index
        %get3A_821 = arith.constant 96 : index
        %get3A_822 = tpu.vector_load %arg8[%get3A_820, %get3A_821] {strides = array<i32>} : memref<128x128xf32, #tpu.memory_space<vmem>>, vector<16xf32>,
        %get3A_823 = arith.index_cast %add3A_772 : i32 to index
        %get3A_824 = arith.constant 96 : index
        %get3A_825 = tpu.vector_load %arg9[%get3A_823, %get3A_824] {strides = array<i32>} : memref<128x128xf32, #tpu.memory_space<vmem>>, vector<16xf32>,
        %mul3A_826 = arith.mulf %get3A_822, %get3A_825 : vector<16xf32>
        %add3A_827 = arith.addf %add3A_819, %mul3A_826 : vector<16xf32>
        %get3A_828 = arith.index_cast %add3A_772 : i32 to index
        %get3A_829 = arith.constant 112 : index
        %get3A_830 = tpu.vector_load %arg8[%get3A_828, %get3A_829] {strides = array<i32>} : memref<128x128xf32, #tpu.memory_space<vmem>>, vector<16xf32>,
        %get3A_831 = arith.index_cast %add3A_772 : i32 to index
        %get3A_832 = arith.constant 112 : index
        %get3A_833 = tpu.vector_load %arg9[%get3A_831, %get3A_832] {strides = array<i32>} : memref<128x128xf32, #tpu.memory_space<vmem>>, vector<16xf32>,
        %mul3A_834 = arith.mulf %get3A_830, %get3A_833 : vector<16xf32>
        %add3A_835 = arith.addf %add3A_827, %mul3A_834 : vector<16xf32>
        %swap3A_836 = arith.constant 176 : index
        %swap3A_837 = tpu.vector_load %arg10[%swap3A_836] {strides = array<i32>} : memref<256xf32, #tpu.memory_space<vmem>>, vector<16xf32>,
        tpu.vector_store %arg10[%swap3A_836], %add3A_835 {strides = array<i32>} : memref<256xf32, #tpu.memory_space<vmem>>, vector<16xf32>,
        %add3A_838 = arith.constant 12 : i32
        %add3A_839 = arith.addi %mul3A_35, %add3A_838 : i32
        %get3A_840 = arith.index_cast %add3A_839 : i32 to index
        %get3A_841 = arith.constant 0 : index
        %get3A_842 = tpu.vector_load %arg8[%get3A_840, %get3A_841] {strides = array<i32>} : memref<128x128xf32, #tpu.memory_space<vmem>>, vector<16xf32>,
        %get3A_843 = arith.index_cast %add3A_839 : i32 to index
        %get3A_844 = arith.constant 0 : index
        %get3A_845 = tpu.vector_load %arg9[%get3A_843, %get3A_844] {strides = array<i32>} : memref<128x128xf32, #tpu.memory_space<vmem>>, vector<16xf32>,
        %mul3A_846 = arith.mulf %get3A_842, %get3A_845 : vector<16xf32>
        %get3A_847 = arith.index_cast %add3A_839 : i32 to index
        %get3A_848 = arith.constant 16 : index
        %get3A_849 = tpu.vector_load %arg8[%get3A_847, %get3A_848] {strides = array<i32>} : memref<128x128xf32, #tpu.memory_space<vmem>>, vector<16xf32>,
        %get3A_850 = arith.index_cast %add3A_839 : i32 to index
        %get3A_851 = arith.constant 16 : index
        %get3A_852 = tpu.vector_load %arg9[%get3A_850, %get3A_851] {strides = array<i32>} : memref<128x128xf32, #tpu.memory_space<vmem>>, vector<16xf32>,
        %mul3A_853 = arith.mulf %get3A_849, %get3A_852 : vector<16xf32>
        %add3A_854 = arith.addf %mul3A_846, %mul3A_853 : vector<16xf32>
        %get3A_855 = arith.index_cast %add3A_839 : i32 to index
        %get3A_856 = arith.constant 32 : index
        %get3A_857 = tpu.vector_load %arg8[%get3A_855, %get3A_856] {strides = array<i32>} : memref<128x128xf32, #tpu.memory_space<vmem>>, vector<16xf32>,
        %get3A_858 = arith.index_cast %add3A_839 : i32 to index
        %get3A_859 = arith.constant 32 : index
        %get3A_860 = tpu.vector_load %arg9[%get3A_858, %get3A_859] {strides = array<i32>} : memref<128x128xf32, #tpu.memory_space<vmem>>, vector<16xf32>,
        %mul3A_861 = arith.mulf %get3A_857, %get3A_860 : vector<16xf32>
        %add3A_862 = arith.addf %add3A_854, %mul3A_861 : vector<16xf32>
        %get3A_863 = arith.index_cast %add3A_839 : i32 to index
        %get3A_864 = arith.constant 48 : index
        %get3A_865 = tpu.vector_load %arg8[%get3A_863, %get3A_864] {strides = array<i32>} : memref<128x128xf32, #tpu.memory_space<vmem>>, vector<16xf32>,
        %get3A_866 = arith.index_cast %add3A_839 : i32 to index
        %get3A_867 = arith.constant 48 : index
        %get3A_868 = tpu.vector_load %arg9[%get3A_866, %get3A_867] {strides = array<i32>} : memref<128x128xf32, #tpu.memory_space<vmem>>, vector<16xf32>,
        %mul3A_869 = arith.mulf %get3A_865, %get3A_868 : vector<16xf32>
        %add3A_870 = arith.addf %add3A_862, %mul3A_869 : vector<16xf32>
        %get3A_871 = arith.index_cast %add3A_839 : i32 to index
        %get3A_872 = arith.constant 64 : index
        %get3A_873 = tpu.vector_load %arg8[%get3A_871, %get3A_872] {strides = array<i32>} : memref<128x128xf32, #tpu.memory_space<vmem>>, vector<16xf32>,
        %get3A_874 = arith.index_cast %add3A_839 : i32 to index
        %get3A_875 = arith.constant 64 : index
        %get3A_876 = tpu.vector_load %arg9[%get3A_874, %get3A_875] {strides = array<i32>} : memref<128x128xf32, #tpu.memory_space<vmem>>, vector<16xf32>,
        %mul3A_877 = arith.mulf %get3A_873, %get3A_876 : vector<16xf32>
        %add3A_878 = arith.addf %add3A_870, %mul3A_877 : vector<16xf32>
        %get3A_879 = arith.index_cast %add3A_839 : i32 to index
        %get3A_880 = arith.constant 80 : index
        %get3A_881 = tpu.vector_load %arg8[%get3A_879, %get3A_880] {strides = array<i32>} : memref<128x128xf32, #tpu.memory_space<vmem>>, vector<16xf32>,
        %get3A_882 = arith.index_cast %add3A_839 : i32 to index
        %get3A_883 = arith.constant 80 : index
        %get3A_884 = tpu.vector_load %arg9[%get3A_882, %get3A_883] {strides = array<i32>} : memref<128x128xf32, #tpu.memory_space<vmem>>, vector<16xf32>,
        %mul3A_885 = arith.mulf %get3A_881, %get3A_884 : vector<16xf32>
        %add3A_886 = arith.addf %add3A_878, %mul3A_885 : vector<16xf32>
        %get3A_887 = arith.index_cast %add3A_839 : i32 to index
        %get3A_888 = arith.constant 96 : index
        %get3A_889 = tpu.vector_load %arg8[%get3A_887, %get3A_888] {strides = array<i32>} : memref<128x128xf32, #tpu.memory_space<vmem>>, vector<16xf32>,
        %get3A_890 = arith.index_cast %add3A_839 : i32 to index
        %get3A_891 = arith.constant 96 : index
        %get3A_892 = tpu.vector_load %arg9[%get3A_890, %get3A_891] {strides = array<i32>} : memref<128x128xf32, #tpu.memory_space<vmem>>, vector<16xf32>,
        %mul3A_893 = arith.mulf %get3A_889, %get3A_892 : vector<16xf32>
        %add3A_894 = arith.addf %add3A_886, %mul3A_893 : vector<16xf32>
        %get3A_895 = arith.index_cast %add3A_839 : i32 to index
        %get3A_896 = arith.constant 112 : index
        %get3A_897 = tpu.vector_load %arg8[%get3A_895, %get3A_896] {strides = array<i32>} : memref<128x128xf32, #tpu.memory_space<vmem>>, vector<16xf32>,
        %get3A_898 = arith.index_cast %add3A_839 : i32 to index
        %get3A_899 = arith.constant 112 : index
        %get3A_900 = tpu.vector_load %arg9[%get3A_898, %get3A_899] {strides = array<i32>} : memref<128x128xf32, #tpu.memory_space<vmem>>, vector<16xf32>,
        %mul3A_901 = arith.mulf %get3A_897, %get3A_900 : vector<16xf32>
        %add3A_902 = arith.addf %add3A_894, %mul3A_901 : vector<16xf32>
        %swap3A_903 = arith.constant 192 : index
        %swap3A_904 = tpu.vector_load %arg10[%swap3A_903] {strides = array<i32>} : memref<256xf32, #tpu.memory_space<vmem>>, vector<16xf32>,
        tpu.vector_store %arg10[%swap3A_903], %add3A_902 {strides = array<i32>} : memref<256xf32, #tpu.memory_space<vmem>>, vector<16xf32>,
        %add3A_905 = arith.constant 13 : i32
        %add3A_906 = arith.addi %mul3A_35, %add3A_905 : i32
        %get3A_907 = arith.index_cast %add3A_906 : i32 to index
        %get3A_908 = arith.constant 0 : index
        %get3A_909 = tpu.vector_load %arg8[%get3A_907, %get3A_908] {strides = array<i32>} : memref<128x128xf32, #tpu.memory_space<vmem>>, vector<16xf32>,
        %get3A_910 = arith.index_cast %add3A_906 : i32 to index
        %get3A_911 = arith.constant 0 : index
        %get3A_912 = tpu.vector_load %arg9[%get3A_910, %get3A_911] {strides = array<i32>} : memref<128x128xf32, #tpu.memory_space<vmem>>, vector<16xf32>,
        %mul3A_913 = arith.mulf %get3A_909, %get3A_912 : vector<16xf32>
        %get3A_914 = arith.index_cast %add3A_906 : i32 to index
        %get3A_915 = arith.constant 16 : index
        %get3A_916 = tpu.vector_load %arg8[%get3A_914, %get3A_915] {strides = array<i32>} : memref<128x128xf32, #tpu.memory_space<vmem>>, vector<16xf32>,
        %get3A_917 = arith.index_cast %add3A_906 : i32 to index
        %get3A_918 = arith.constant 16 : index
        %get3A_919 = tpu.vector_load %arg9[%get3A_917, %get3A_918] {strides = array<i32>} : memref<128x128xf32, #tpu.memory_space<vmem>>, vector<16xf32>,
        %mul3A_920 = arith.mulf %get3A_916, %get3A_919 : vector<16xf32>
        %add3A_921 = arith.addf %mul3A_913, %mul3A_920 : vector<16xf32>
        %get3A_922 = arith.index_cast %add3A_906 : i32 to index
        %get3A_923 = arith.constant 32 : index
        %get3A_924 = tpu.vector_load %arg8[%get3A_922, %get3A_923] {strides = array<i32>} : memref<128x128xf32, #tpu.memory_space<vmem>>, vector<16xf32>,
        %get3A_925 = arith.index_cast %add3A_906 : i32 to index
        %get3A_926 = arith.constant 32 : index
        %get3A_927 = tpu.vector_load %arg9[%get3A_925, %get3A_926] {strides = array<i32>} : memref<128x128xf32, #tpu.memory_space<vmem>>, vector<16xf32>,
        %mul3A_928 = arith.mulf %get3A_924, %get3A_927 : vector<16xf32>
        %add3A_929 = arith.addf %add3A_921, %mul3A_928 : vector<16xf32>
        %get3A_930 = arith.index_cast %add3A_906 : i32 to index
        %get3A_931 = arith.constant 48 : index
        %get3A_932 = tpu.vector_load %arg8[%get3A_930, %get3A_931] {strides = array<i32>} : memref<128x128xf32, #tpu.memory_space<vmem>>, vector<16xf32>,
        %get3A_933 = arith.index_cast %add3A_906 : i32 to index
        %get3A_934 = arith.constant 48 : index
        %get3A_935 = tpu.vector_load %arg9[%get3A_933, %get3A_934] {strides = array<i32>} : memref<128x128xf32, #tpu.memory_space<vmem>>, vector<16xf32>,
        %mul3A_936 = arith.mulf %get3A_932, %get3A_935 : vector<16xf32>
        %add3A_937 = arith.addf %add3A_929, %mul3A_936 : vector<16xf32>
        %get3A_938 = arith.index_cast %add3A_906 : i32 to index
        %get3A_939 = arith.constant 64 : index
        %get3A_940 = tpu.vector_load %arg8[%get3A_938, %get3A_939] {strides = array<i32>} : memref<128x128xf32, #tpu.memory_space<vmem>>, vector<16xf32>,
        %get3A_941 = arith.index_cast %add3A_906 : i32 to index
        %get3A_942 = arith.constant 64 : index
        %get3A_943 = tpu.vector_load %arg9[%get3A_941, %get3A_942] {strides = array<i32>} : memref<128x128xf32, #tpu.memory_space<vmem>>, vector<16xf32>,
        %mul3A_944 = arith.mulf %get3A_940, %get3A_943 : vector<16xf32>
        %add3A_945 = arith.addf %add3A_937, %mul3A_944 : vector<16xf32>
        %get3A_946 = arith.index_cast %add3A_906 : i32 to index
        %get3A_947 = arith.constant 80 : index
        %get3A_948 = tpu.vector_load %arg8[%get3A_946, %get3A_947] {strides = array<i32>} : memref<128x128xf32, #tpu.memory_space<vmem>>, vector<16xf32>,
        %get3A_949 = arith.index_cast %add3A_906 : i32 to index
        %get3A_950 = arith.constant 80 : index
        %get3A_951 = tpu.vector_load %arg9[%get3A_949, %get3A_950] {strides = array<i32>} : memref<128x128xf32, #tpu.memory_space<vmem>>, vector<16xf32>,
        %mul3A_952 = arith.mulf %get3A_948, %get3A_951 : vector<16xf32>
        %add3A_953 = arith.addf %add3A_945, %mul3A_952 : vector<16xf32>
        %get3A_954 = arith.index_cast %add3A_906 : i32 to index
        %get3A_955 = arith.constant 96 : index
        %get3A_956 = tpu.vector_load %arg8[%get3A_954, %get3A_955] {strides = array<i32>} : memref<128x128xf32, #tpu.memory_space<vmem>>, vector<16xf32>,
        %get3A_957 = arith.index_cast %add3A_906 : i32 to index
        %get3A_958 = arith.constant 96 : index
        %get3A_959 = tpu.vector_load %arg9[%get3A_957, %get3A_958] {strides = array<i32>} : memref<128x128xf32, #tpu.memory_space<vmem>>, vector<16xf32>,
        %mul3A_960 = arith.mulf %get3A_956, %get3A_959 : vector<16xf32>
        %add3A_961 = arith.addf %add3A_953, %mul3A_960 : vector<16xf32>
        %get3A_962 = arith.index_cast %add3A_906 : i32 to index
        %get3A_963 = arith.constant 112 : index
        %get3A_964 = tpu.vector_load %arg8[%get3A_962, %get3A_963] {strides = array<i32>} : memref<128x128xf32, #tpu.memory_space<vmem>>, vector<16xf32>,
        %get3A_965 = arith.index_cast %add3A_906 : i32 to index
        %get3A_966 = arith.constant 112 : index
        %get3A_967 = tpu.vector_load %arg9[%get3A_965, %get3A_966] {strides = array<i32>} : memref<128x128xf32, #tpu.memory_space<vmem>>, vector<16xf32>,
        %mul3A_968 = arith.mulf %get3A_964, %get3A_967 : vector<16xf32>
        %add3A_969 = arith.addf %add3A_961, %mul3A_968 : vector<16xf32>
        %swap3A_970 = arith.constant 208 : index
        %swap3A_971 = tpu.vector_load %arg10[%swap3A_970] {strides = array<i32>} : memref<256xf32, #tpu.memory_space<vmem>>, vector<16xf32>,
        tpu.vector_store %arg10[%swap3A_970], %add3A_969 {strides = array<i32>} : memref<256xf32, #tpu.memory_space<vmem>>, vector<16xf32>,
        %add3A_972 = arith.constant 14 : i32
        %add3A_973 = arith.addi %mul3A_35, %add3A_972 : i32
        %get3A_974 = arith.index_cast %add3A_973 : i32 to index
        %get3A_975 = arith.constant 0 : index
        %get3A_976 = tpu.vector_load %arg8[%get3A_974, %get3A_975] {strides = array<i32>} : memref<128x128xf32, #tpu.memory_space<vmem>>, vector<16xf32>,
        %get3A_977 = arith.index_cast %add3A_973 : i32 to index
        %get3A_978 = arith.constant 0 : index
        %get3A_979 = tpu.vector_load %arg9[%get3A_977, %get3A_978] {strides = array<i32>} : memref<128x128xf32, #tpu.memory_space<vmem>>, vector<16xf32>,
        %mul3A_980 = arith.mulf %get3A_976, %get3A_979 : vector<16xf32>
        %get3A_981 = arith.index_cast %add3A_973 : i32 to index
        %get3A_982 = arith.constant 16 : index
        %get3A_983 = tpu.vector_load %arg8[%get3A_981, %get3A_982] {strides = array<i32>} : memref<128x128xf32, #tpu.memory_space<vmem>>, vector<16xf32>,
        %get3A_984 = arith.index_cast %add3A_973 : i32 to index
        %get3A_985 = arith.constant 16 : index
        %get3A_986 = tpu.vector_load %arg9[%get3A_984, %get3A_985] {strides = array<i32>} : memref<128x128xf32, #tpu.memory_space<vmem>>, vector<16xf32>,
        %mul3A_987 = arith.mulf %get3A_983, %get3A_986 : vector<16xf32>
        %add3A_988 = arith.addf %mul3A_980, %mul3A_987 : vector<16xf32>
        %get3A_989 = arith.index_cast %add3A_973 : i32 to index
        %get3A_990 = arith.constant 32 : index
        %get3A_991 = tpu.vector_load %arg8[%get3A_989, %get3A_990] {strides = array<i32>} : memref<128x128xf32, #tpu.memory_space<vmem>>, vector<16xf32>,
        %get3A_992 = arith.index_cast %add3A_973 : i32 to index
        %get3A_993 = arith.constant 32 : index
        %get3A_994 = tpu.vector_load %arg9[%get3A_992, %get3A_993] {strides = array<i32>} : memref<128x128xf32, #tpu.memory_space<vmem>>, vector<16xf32>,
        %mul3A_995 = arith.mulf %get3A_991, %get3A_994 : vector<16xf32>
        %add3A_996 = arith.addf %add3A_988, %mul3A_995 : vector<16xf32>
        %get3A_997 = arith.index_cast %add3A_973 : i32 to index
        %get3A_998 = arith.constant 48 : index
        %get3A_999 = tpu.vector_load %arg8[%get3A_997, %get3A_998] {strides = array<i32>} : memref<128x128xf32, #tpu.memory_space<vmem>>, vector<16xf32>,
        %get3A_1000 = arith.index_cast %add3A_973 : i32 to index
        %get3A_1001 = arith.constant 48 : index
        %get3A_1002 = tpu.vector_load %arg9[%get3A_1000, %get3A_1001] {strides = array<i32>} : memref<128x128xf32, #tpu.memory_space<vmem>>, vector<16xf32>,
        %mul3A_1003 = arith.mulf %get3A_999, %get3A_1002 : vector<16xf32>
        %add3A_1004 = arith.addf %add3A_996, %mul3A_1003 : vector<16xf32>
        %get3A_1005 = arith.index_cast %add3A_973 : i32 to index
        %get3A_1006 = arith.constant 64 : index
        %get3A_1007 = tpu.vector_load %arg8[%get3A_1005, %get3A_1006] {strides = array<i32>} : memref<128x128xf32, #tpu.memory_space<vmem>>, vector<16xf32>,
        %get3A_1008 = arith.index_cast %add3A_973 : i32 to index
        %get3A_1009 = arith.constant 64 : index
        %get3A_1010 = tpu.vector_load %arg9[%get3A_1008, %get3A_1009] {strides = array<i32>} : memref<128x128xf32, #tpu.memory_space<vmem>>, vector<16xf32>,
        %mul3A_1011 = arith.mulf %get3A_1007, %get3A_1010 : vector<16xf32>
        %add3A_1012 = arith.addf %add3A_1004, %mul3A_1011 : vector<16xf32>
        %get3A_1013 = arith.index_cast %add3A_973 : i32 to index
        %get3A_1014 = arith.constant 80 : index
        %get3A_1015 = tpu.vector_load %arg8[%get3A_1013, %get3A_1014] {strides = array<i32>} : memref<128x128xf32, #tpu.memory_space<vmem>>, vector<16xf32>,
        %get3A_1016 = arith.index_cast %add3A_973 : i32 to index
        %get3A_1017 = arith.constant 80 : index
        %get3A_1018 = tpu.vector_load %arg9[%get3A_1016, %get3A_1017] {strides = array<i32>} : memref<128x128xf32, #tpu.memory_space<vmem>>, vector<16xf32>,
        %mul3A_1019 = arith.mulf %get3A_1015, %get3A_1018 : vector<16xf32>
        %add3A_1020 = arith.addf %add3A_1012, %mul3A_1019 : vector<16xf32>
        %get3A_1021 = arith.index_cast %add3A_973 : i32 to index
        %get3A_1022 = arith.constant 96 : index
        %get3A_1023 = tpu.vector_load %arg8[%get3A_1021, %get3A_1022] {strides = array<i32>} : memref<128x128xf32, #tpu.memory_space<vmem>>, vector<16xf32>,
        %get3A_1024 = arith.index_cast %add3A_973 : i32 to index
        %get3A_1025 = arith.constant 96 : index
        %get3A_1026 = tpu.vector_load %arg9[%get3A_1024, %get3A_1025] {strides = array<i32>} : memref<128x128xf32, #tpu.memory_space<vmem>>, vector<16xf32>,
        %mul3A_1027 = arith.mulf %get3A_1023, %get3A_1026 : vector<16xf32>
        %add3A_1028 = arith.addf %add3A_1020, %mul3A_1027 : vector<16xf32>
        %get3A_1029 = arith.index_cast %add3A_973 : i32 to index
        %get3A_1030 = arith.constant 112 : index
        %get3A_1031 = tpu.vector_load %arg8[%get3A_1029, %get3A_1030] {strides = array<i32>} : memref<128x128xf32, #tpu.memory_space<vmem>>, vector<16xf32>,
        %get3A_1032 = arith.index_cast %add3A_973 : i32 to index
        %get3A_1033 = arith.constant 112 : index
        %get3A_1034 = tpu.vector_load %arg9[%get3A_1032, %get3A_1033] {strides = array<i32>} : memref<128x128xf32, #tpu.memory_space<vmem>>, vector<16xf32>,
        %mul3A_1035 = arith.mulf %get3A_1031, %get3A_1034 : vector<16xf32>
        %add3A_1036 = arith.addf %add3A_1028, %mul3A_1035 : vector<16xf32>
        %swap3A_1037 = arith.constant 224 : index
        %swap3A_1038 = tpu.vector_load %arg10[%swap3A_1037] {strides = array<i32>} : memref<256xf32, #tpu.memory_space<vmem>>, vector<16xf32>,
        tpu.vector_store %arg10[%swap3A_1037], %add3A_1036 {strides = array<i32>} : memref<256xf32, #tpu.memory_space<vmem>>, vector<16xf32>,
        %add3A_1039 = arith.constant 15 : i32
        %add3A_1040 = arith.addi %mul3A_35, %add3A_1039 : i32
        %get3A_1041 = arith.index_cast %add3A_1040 : i32 to index
        %get3A_1042 = arith.constant 0 : index
        %get3A_1043 = tpu.vector_load %arg8[%get3A_1041, %get3A_1042] {strides = array<i32>} : memref<128x128xf32, #tpu.memory_space<vmem>>, vector<16xf32>,
        %get3A_1044 = arith.index_cast %add3A_1040 : i32 to index
        %get3A_1045 = arith.constant 0 : index
        %get3A_1046 = tpu.vector_load %arg9[%get3A_1044, %get3A_1045] {strides = array<i32>} : memref<128x128xf32, #tpu.memory_space<vmem>>, vector<16xf32>,
        %mul3A_1047 = arith.mulf %get3A_1043, %get3A_1046 : vector<16xf32>
        %get3A_1048 = arith.index_cast %add3A_1040 : i32 to index
        %get3A_1049 = arith.constant 16 : index
        %get3A_1050 = tpu.vector_load %arg8[%get3A_1048, %get3A_1049] {strides = array<i32>} : memref<128x128xf32, #tpu.memory_space<vmem>>, vector<16xf32>,
        %get3A_1051 = arith.index_cast %add3A_1040 : i32 to index
        %get3A_1052 = arith.constant 16 : index
        %get3A_1053 = tpu.vector_load %arg9[%get3A_1051, %get3A_1052] {strides = array<i32>} : memref<128x128xf32, #tpu.memory_space<vmem>>, vector<16xf32>,
        %mul3A_1054 = arith.mulf %get3A_1050, %get3A_1053 : vector<16xf32>
        %add3A_1055 = arith.addf %mul3A_1047, %mul3A_1054 : vector<16xf32>
        %get3A_1056 = arith.index_cast %add3A_1040 : i32 to index
        %get3A_1057 = arith.constant 32 : index
        %get3A_1058 = tpu.vector_load %arg8[%get3A_1056, %get3A_1057] {strides = array<i32>} : memref<128x128xf32, #tpu.memory_space<vmem>>, vector<16xf32>,
        %get3A_1059 = arith.index_cast %add3A_1040 : i32 to index
        %get3A_1060 = arith.constant 32 : index
        %get3A_1061 = tpu.vector_load %arg9[%get3A_1059, %get3A_1060] {strides = array<i32>} : memref<128x128xf32, #tpu.memory_space<vmem>>, vector<16xf32>,
        %mul3A_1062 = arith.mulf %get3A_1058, %get3A_1061 : vector<16xf32>
        %add3A_1063 = arith.addf %add3A_1055, %mul3A_1062 : vector<16xf32>
        %get3A_1064 = arith.index_cast %add3A_1040 : i32 to index
        %get3A_1065 = arith.constant 48 : index
        %get3A_1066 = tpu.vector_load %arg8[%get3A_1064, %get3A_1065] {strides = array<i32>} : memref<128x128xf32, #tpu.memory_space<vmem>>, vector<16xf32>,
        %get3A_1067 = arith.index_cast %add3A_1040 : i32 to index
        %get3A_1068 = arith.constant 48 : index
        %get3A_1069 = tpu.vector_load %arg9[%get3A_1067, %get3A_1068] {strides = array<i32>} : memref<128x128xf32, #tpu.memory_space<vmem>>, vector<16xf32>,
        %mul3A_1070 = arith.mulf %get3A_1066, %get3A_1069 : vector<16xf32>
        %add3A_1071 = arith.addf %add3A_1063, %mul3A_1070 : vector<16xf32>
        %get3A_1072 = arith.index_cast %add3A_1040 : i32 to index
        %get3A_1073 = arith.constant 64 : index
        %get3A_1074 = tpu.vector_load %arg8[%get3A_1072, %get3A_1073] {strides = array<i32>} : memref<128x128xf32, #tpu.memory_space<vmem>>, vector<16xf32>,
        %get3A_1075 = arith.index_cast %add3A_1040 : i32 to index
        %get3A_1076 = arith.constant 64 : index
        %get3A_1077 = tpu.vector_load %arg9[%get3A_1075, %get3A_1076] {strides = array<i32>} : memref<128x128xf32, #tpu.memory_space<vmem>>, vector<16xf32>,
        %mul3A_1078 = arith.mulf %get3A_1074, %get3A_1077 : vector<16xf32>
        %add3A_1079 = arith.addf %add3A_1071, %mul3A_1078 : vector<16xf32>
        %get3A_1080 = arith.index_cast %add3A_1040 : i32 to index
        %get3A_1081 = arith.constant 80 : index
        %get3A_1082 = tpu.vector_load %arg8[%get3A_1080, %get3A_1081] {strides = array<i32>} : memref<128x128xf32, #tpu.memory_space<vmem>>, vector<16xf32>,
        %get3A_1083 = arith.index_cast %add3A_1040 : i32 to index
        %get3A_1084 = arith.constant 80 : index
        %get3A_1085 = tpu.vector_load %arg9[%get3A_1083, %get3A_1084] {strides = array<i32>} : memref<128x128xf32, #tpu.memory_space<vmem>>, vector<16xf32>,
        %mul3A_1086 = arith.mulf %get3A_1082, %get3A_1085 : vector<16xf32>
        %add3A_1087 = arith.addf %add3A_1079, %mul3A_1086 : vector<16xf32>
        %get3A_1088 = arith.index_cast %add3A_1040 : i32 to index
        %get3A_1089 = arith.constant 96 : index
        %get3A_1090 = tpu.vector_load %arg8[%get3A_1088, %get3A_1089] {strides = array<i32>} : memref<128x128xf32, #tpu.memory_space<vmem>>, vector<16xf32>,
        %get3A_1091 = arith.index_cast %add3A_1040 : i32 to index
        %get3A_1092 = arith.constant 96 : index
        %get3A_1093 = tpu.vector_load %arg9[%get3A_1091, %get3A_1092] {strides = array<i32>} : memref<128x128xf32, #tpu.memory_space<vmem>>, vector<16xf32>,
        %mul3A_1094 = arith.mulf %get3A_1090, %get3A_1093 : vector<16xf32>
        %add3A_1095 = arith.addf %add3A_1087, %mul3A_1094 : vector<16xf32>
        %get3A_1096 = arith.index_cast %add3A_1040 : i32 to index
        %get3A_1097 = arith.constant 112 : index
        %get3A_1098 = tpu.vector_load %arg8[%get3A_1096, %get3A_1097] {strides = array<i32>} : memref<128x128xf32, #tpu.memory_space<vmem>>, vector<16xf32>,
        %get3A_1099 = arith.index_cast %add3A_1040 : i32 to index
        %get3A_1100 = arith.constant 112 : index
        %get3A_1101 = tpu.vector_load %arg9[%get3A_1099, %get3A_1100] {strides = array<i32>} : memref<128x128xf32, #tpu.memory_space<vmem>>, vector<16xf32>,
        %mul3A_1102 = arith.mulf %get3A_1098, %get3A_1101 : vector<16xf32>
        %add3A_1103 = arith.addf %add3A_1095, %mul3A_1102 : vector<16xf32>
        %swap3A_1104 = arith.constant 240 : index
        %swap3A_1105 = tpu.vector_load %arg10[%swap3A_1104] {strides = array<i32>} : memref<256xf32, #tpu.memory_space<vmem>>, vector<16xf32>,
        tpu.vector_store %arg10[%swap3A_1104], %add3A_1103 {strides = array<i32>} : memref<256xf32, #tpu.memory_space<vmem>>, vector<16xf32>,
        %mul3A_1106 = arith.constant 16 : i32
        %mul3A_1107 = vector.broadcast %mul3A_1106 : i32 to vector<16xi32>
        %mul3A_1108 = arith.muli %iota3A, %mul3A_1107 : vector<16xi32>
        %gather3A = tpu.vector_load_idx %arg10[%mul3A_1108] : memref<256xf32, #tpu.memory_space<vmem>>[vector<16xi32>], vector<16xf32>,
        %add3A_1109 = arith.constant 1 : i32
        %add3A_1110 = vector.broadcast %add3A_1109 : i32 to vector<16xi32>
        %add3A_1111 = arith.addi %mul3A_1108, %add3A_1110 : vector<16xi32>
        %gather3A_1112 = tpu.vector_load_idx %arg10[%add3A_1111] : memref<256xf32, #tpu.memory_space<vmem>>[vector<16xi32>], vector<16xf32>,
        %add3A_1113 = arith.addf %gather3A, %gather3A_1112 : vector<16xf32>
        %add3A_1114 = arith.constant 2 : i32
        %add3A_1115 = vector.broadcast %add3A_1114 : i32 to vector<16xi32>
        %add3A_1116 = arith.addi %mul3A_1108, %add3A_1115 : vector<16xi32>
        %gather3A_1117 = tpu.vector_load_idx %arg10[%add3A_1116] : memref<256xf32, #tpu.memory_space<vmem>>[vector<16xi32>], vector<16xf32>,
        %add3A_1118 = arith.addf %add3A_1113, %gather3A_1117 : vector<16xf32>
        %add3A_1119 = arith.constant 3 : i32
        %add3A_1120 = vector.broadcast %add3A_1119 : i32 to vector<16xi32>
        %add3A_1121 = arith.addi %mul3A_1108, %add3A_1120 : vector<16xi32>
        %gather3A_1122 = tpu.vector_load_idx %arg10[%add3A_1121] : memref<256xf32, #tpu.memory_space<vmem>>[vector<16xi32>], vector<16xf32>,
        %add3A_1123 = arith.addf %add3A_1118, %gather3A_1122 : vector<16xf32>
        %add3A_1124 = arith.constant 4 : i32
        %add3A_1125 = vector.broadcast %add3A_1124 : i32 to vector<16xi32>
        %add3A_1126 = arith.addi %mul3A_1108, %add3A_1125 : vector<16xi32>
        %gather3A_1127 = tpu.vector_load_idx %arg10[%add3A_1126] : memref<256xf32, #tpu.memory_space<vmem>>[vector<16xi32>], vector<16xf32>,
        %add3A_1128 = arith.addf %add3A_1123, %gather3A_1127 : vector<16xf32>
        %add3A_1129 = arith.constant 5 : i32
        %add3A_1130 = vector.broadcast %add3A_1129 : i32 to vector<16xi32>
        %add3A_1131 = arith.addi %mul3A_1108, %add3A_1130 : vector<16xi32>
        %gather3A_1132 = tpu.vector_load_idx %arg10[%add3A_1131] : memref<256xf32, #tpu.memory_space<vmem>>[vector<16xi32>], vector<16xf32>,
        %add3A_1133 = arith.addf %add3A_1128, %gather3A_1132 : vector<16xf32>
        %add3A_1134 = arith.constant 6 : i32
        %add3A_1135 = vector.broadcast %add3A_1134 : i32 to vector<16xi32>
        %add3A_1136 = arith.addi %mul3A_1108, %add3A_1135 : vector<16xi32>
        %gather3A_1137 = tpu.vector_load_idx %arg10[%add3A_1136] : memref<256xf32, #tpu.memory_space<vmem>>[vector<16xi32>], vector<16xf32>,
        %add3A_1138 = arith.addf %add3A_1133, %gather3A_1137 : vector<16xf32>
        %add3A_1139 = arith.constant 7 : i32
        %add3A_1140 = vector.broadcast %add3A_1139 : i32 to vector<16xi32>
        %add3A_1141 = arith.addi %mul3A_1108, %add3A_1140 : vector<16xi32>
        %gather3A_1142 = tpu.vector_load_idx %arg10[%add3A_1141] : memref<256xf32, #tpu.memory_space<vmem>>[vector<16xi32>], vector<16xf32>,
        %add3A_1143 = arith.addf %add3A_1138, %gather3A_1142 : vector<16xf32>
        %add3A_1144 = arith.constant 8 : i32
        %add3A_1145 = vector.broadcast %add3A_1144 : i32 to vector<16xi32>
        %add3A_1146 = arith.addi %mul3A_1108, %add3A_1145 : vector<16xi32>
        %gather3A_1147 = tpu.vector_load_idx %arg10[%add3A_1146] : memref<256xf32, #tpu.memory_space<vmem>>[vector<16xi32>], vector<16xf32>,
        %add3A_1148 = arith.addf %add3A_1143, %gather3A_1147 : vector<16xf32>
        %add3A_1149 = arith.constant 9 : i32
        %add3A_1150 = vector.broadcast %add3A_1149 : i32 to vector<16xi32>
        %add3A_1151 = arith.addi %mul3A_1108, %add3A_1150 : vector<16xi32>
        %gather3A_1152 = tpu.vector_load_idx %arg10[%add3A_1151] : memref<256xf32, #tpu.memory_space<vmem>>[vector<16xi32>], vector<16xf32>,
        %add3A_1153 = arith.addf %add3A_1148, %gather3A_1152 : vector<16xf32>
        %add3A_1154 = arith.constant 10 : i32
        %add3A_1155 = vector.broadcast %add3A_1154 : i32 to vector<16xi32>
        %add3A_1156 = arith.addi %mul3A_1108, %add3A_1155 : vector<16xi32>
        %gather3A_1157 = tpu.vector_load_idx %arg10[%add3A_1156] : memref<256xf32, #tpu.memory_space<vmem>>[vector<16xi32>], vector<16xf32>,
        %add3A_1158 = arith.addf %add3A_1153, %gather3A_1157 : vector<16xf32>
        %add3A_1159 = arith.constant 11 : i32
        %add3A_1160 = vector.broadcast %add3A_1159 : i32 to vector<16xi32>
        %add3A_1161 = arith.addi %mul3A_1108, %add3A_1160 : vector<16xi32>
        %gather3A_1162 = tpu.vector_load_idx %arg10[%add3A_1161] : memref<256xf32, #tpu.memory_space<vmem>>[vector<16xi32>], vector<16xf32>,
        %add3A_1163 = arith.addf %add3A_1158, %gather3A_1162 : vector<16xf32>
        %add3A_1164 = arith.constant 12 : i32
        %add3A_1165 = vector.broadcast %add3A_1164 : i32 to vector<16xi32>
        %add3A_1166 = arith.addi %mul3A_1108, %add3A_1165 : vector<16xi32>
        %gather3A_1167 = tpu.vector_load_idx %arg10[%add3A_1166] : memref<256xf32, #tpu.memory_space<vmem>>[vector<16xi32>], vector<16xf32>,
        %add3A_1168 = arith.addf %add3A_1163, %gather3A_1167 : vector<16xf32>
        %add3A_1169 = arith.constant 13 : i32
        %add3A_1170 = vector.broadcast %add3A_1169 : i32 to vector<16xi32>
        %add3A_1171 = arith.addi %mul3A_1108, %add3A_1170 : vector<16xi32>
        %gather3A_1172 = tpu.vector_load_idx %arg10[%add3A_1171] : memref<256xf32, #tpu.memory_space<vmem>>[vector<16xi32>], vector<16xf32>,
        %add3A_1173 = arith.addf %add3A_1168, %gather3A_1172 : vector<16xf32>
        %add3A_1174 = arith.constant 14 : i32
        %add3A_1175 = vector.broadcast %add3A_1174 : i32 to vector<16xi32>
        %add3A_1176 = arith.addi %mul3A_1108, %add3A_1175 : vector<16xi32>
        %gather3A_1177 = tpu.vector_load_idx %arg10[%add3A_1176] : memref<256xf32, #tpu.memory_space<vmem>>[vector<16xi32>], vector<16xf32>,
        %add3A_1178 = arith.addf %add3A_1173, %gather3A_1177 : vector<16xf32>
        %add3A_1179 = arith.constant 15 : i32
        %add3A_1180 = vector.broadcast %add3A_1179 : i32 to vector<16xi32>
        %add3A_1181 = arith.addi %mul3A_1108, %add3A_1180 : vector<16xi32>
        %gather3A_1182 = tpu.vector_load_idx %arg10[%add3A_1181] : memref<256xf32, #tpu.memory_space<vmem>>[vector<16xi32>], vector<16xf32>,
        %add3A_1183 = arith.addf %add3A_1178, %gather3A_1182 : vector<16xf32>
        %swap3A_1184 = arith.index_cast %mul3A_35 : i32 to index
        %swap3A_1185 = tpu.vector_load %arg11[%swap3A_1184] {strides = array<i32>} : memref<128xf32, #tpu.memory_space<vmem>>, vector<16xf32>,
        tpu.vector_store %arg11[%swap3A_1184], %add3A_1183 {strides = array<i32>} : memref<128xf32, #tpu.memory_space<vmem>>, vector<16xf32>,
        %scan3A_1186 = arith.constant 0 : i32
        scf.yield %scan3A_1186 : i32
      }
      %scan3A_30 = arith.constant 8 : i32
      "tpu.region"() ({
        %run_scoped3A = tpu.sem_alloc : memref<!tpu.dma_semaphore, #tpu.memory_space<semaphore_mem>>
        %dma_start3A_32 = tpu.memref_slice %arg5[%add3A_13] : memref<323584xf32, #tpu.memory_space<hbm>> -> memref<128xf32, #tpu.memory_space<hbm>>
        %dma_start3A_33 = tpu.memref_slice %arg5[%add3A_13] : memref<323584xf32, #tpu.memory_space<hbm>> -> memref<128xf32, #tpu.memory_space<hbm>>
        tpu.enqueue_dma source(%arg11 : memref<128xf32, #tpu.memory_space<vmem>>) target(%dma_start3A_33 : memref<128xf32, #tpu.memory_space<hbm>>) target_semaphore(%run_scoped3A : memref<!tpu.dma_semaphore, #tpu.memory_space<semaphore_mem>>)
        %dma_wait3A_34 = tpu.memref_slice %arg5[%add3A_13] : memref<323584xf32, #tpu.memory_space<hbm>> -> memref<128xf32, #tpu.memory_space<hbm>>
        %dma_wait3A_35 = tpu.memref_slice %arg5[%add3A_13] : memref<323584xf32, #tpu.memory_space<hbm>> -> memref<128xf32, #tpu.memory_space<hbm>>
        tpu.wait_dma2 semaphore(%run_scoped3A : memref<!tpu.dma_semaphore, #tpu.memory_space<semaphore_mem>>) src(%arg11 : memref<128xf32, #tpu.memory_space<vmem>>) dst(%dma_wait3A_35 : memref<128xf32, #tpu.memory_space<hbm>>)
        tpu.yield
      }) : () -> ()
      %scan3A_31 = arith.constant 0 : i32
      scf.yield %scan3A_31 : i32
    }
    %scan3A_6 = arith.constant 79 : i32
    return
  }
}

</mosaic_0001>

<sc_bundles>
// kernel: kernel.3.cloned.1.call-start
scs
__scs_entry_jumppad:
0x0: {  	(pc) =	sbr.rel $0x88, $3  }
0x1: {  	(tag) =	ssettag $0x0;
	lr =	simm.s32 $0x1  }
0x2: {  	[smem:$0x3F9F] =	sst lr;
	_ =	strace $0xD0000000  }
0x3: {  	_ = 	snop  }
0x4: {  	_ = 	snop  }
0x5: {  	_ = 	snop  }
0x6: {  	_ = 	snop  }
0x7: {  	_ = 	snop  }
__scs_overlays_trampoline_lowered:
0x8: {  	[smem:$0x3FAE] =	sst s0  }
0x9: {  	[smem:$0x3FAF] =	sst s1  }
0xa: {  	[smem:$0x3FB0] =	sst s2  }
0xb: {  	[smem:$0x3FB1] =	sst s3  }
0xc: {  	[smem:$0x3FB2] =	sst s4  }
0xd: {  	[smem:$0x3FB3] =	sst s5  }
0xe: {  	[smem:$0x3FB4] =	sst s6  }
0xf: {  	[smem:$0x3FB5] =	sst s7  }
0x10: {  	[smem:$0x3FB6] =	sst s8  }
0x11: {  	[smem:$0x3FB7] =	sst s9;
	s0 =	simm.s32 @!p0 $0x0  }
0x12: {  	s1 =	sld [smem:$0x3F9D];
	s0 =	simm.s32 @p0 $0x1  }
0x13: {  	[smem:$0x3FB8] =	sst s0;
	s0 =	simm.s32 @!p1 $0x0  }
0x14: {  	s2 =	sld [smem:$0x3F9C];
	s0 =	simm.s32 @p1 $0x1  }
0x15: {  	[smem:$0x3FB9] =	sst s0;
	s0 =	simm.s32 @!p2 $0x0  }
0x16: {  	s3 =	sld [smem:$0x3FDB];
	s0 =	simm.s32 @p2 $0x1  }
0x17: {  	s4 =	simm.s32 $0x1BF5;
	[smem:$0x3FBB] =	sst s0  }
0x18: {  	s0 =	sld [smem:$0x3F9E];
	_ =	swait.ge [sflag:s4], $0x0  }
0x19: {  	s7 =	sld [smem:$0x3F9F]  }
0x1a: {  	s8 =	sadd.s32 $0xFFFFE003, lr  }
0x1b: {  	s9 =	sadd.s32 $0xFFFFFEF7, lr;
	s5 =	simm.s32 $0xFFFFFFFF;
	p2 =	slt.u32 s8, $0xFFFFF086  }
0x1c: {  	p1 =	slt.u32 s9, $0xF7A;
	s5 =	simm.s32 @!p2 $0x0  }
0x1d: {  	s5 =	simm.s32 @p1 $0x1;
	p0 =	seq.s32 s7, s2  }
0x1e: {  	s7 =	smul.u32 @!p0 $0xF7A, s2;
	p2 =	seq.s32 @!p0 s5, $0x0  }
0x1f: {  	s9 =	smul.u32 $0xF7A, s1;
	s8 =	simm.s32 @!p0 $0x1BF5;
	p2 =	por !p2, p0  }
0x20: {  	[sflag:s8] =	ssyncset.s32 @!p0 $0xFFFFF086;
	s6 =	sadd.s32 @!p0 s3, s7;
	s7 =	simm.s32 @!p0 $0x108  }
0x21: {  	s3 =	sadd.s32 s3, s9;
	s6 =	sadd.s32 @!p0 $0x88, s6;
	s7 =	simm.s32 @p2 $0x1082  }
0x22: {  	[simem:s7], [sflag:s8] =	dma.local @!p0 [hbm:s6], $0xF7A  }
0x23: {  	s9 =	sor.u32 $0xD0000000, s2;
	s6 =	simm.s32 $0x108;
	_ =	swait.ge @!p0 [sflag:s8], $0x0  }
0x24: {  	s3 =	sadd.s32 $0x88, s3;
	s6 =	simm.s32 @!p1 $0x1082;
	[sflag:s4] =	ssyncset.s32 $0xFFFFF086  }
0x25: {  	[simem:s6], [sflag:s4] =	dma.local [hbm:s3], $0xF7A  }
0x26: {  	[smem:$0x3F9F] =	sst s1;
	(tag) =	ssettag s2;
	_ =	strace s9  }
0x27: {  	s1 =	sld [smem:$0x3FAF]  }
0x28: {  	s2 =	sld [smem:$0x3FB0]  }
0x29: {  	s4 =	sld [smem:$0x3FB2]  }
0x2a: {  	p0 =	seq.s32 s5, $0x0;
	s5 =	sld [smem:$0x3FB3]  }
0x2b: {  	s6 =	sld [smem:$0x3FB4]  }
0x2c: {  	s7 =	sld [smem:$0x3FB5]  }
0x2d: {  	s3 =	simm.s32 $0x108;
	s8 =	sld [smem:$0x3FB6]  }
0x2e: {  	s3 =	simm.s32 @!p0 $0x1082;
	s9 =	sld [smem:$0x3FB7]  }
0x2f: {  	lr =	sadd.s32 s0, s3;
	s0 =	sld [smem:$0x3FAE]  }
0x30: {  	s3 =	sld [smem:$0x3FB1]  }
0x31: {  	[smem:$0x3FBA] =	sst s10  }
0x32: {  	s10 =	sld [smem:$0x3FB8];
	_ =	sdelay $0x3  }
0x33: {  	p0 =	seq.s32 s10, $0x1;
	s10 =	sld [smem:$0x3FBA];
	_ =	sdelay $0x3  }
0x34: {  	[smem:$0x3FBA] =	sst s10  }
0x35: {  	s10 =	sld [smem:$0x3FB9];
	_ =	sdelay $0x3  }
0x36: {  	p1 =	seq.s32 s10, $0x1;
	s10 =	sld [smem:$0x3FBA];
	_ =	sdelay $0x3  }
0x37: {  	[smem:$0x3FBA] =	sst s10  }
0x38: {  	s10 =	sld [smem:$0x3FBB]  }
0x39: {  	_ = 	snop;
	(pc) =	sbr.ind lr, $3  }
0x3a: {  	_ = 	snop  }
0x3b: {  	_ = 	snop  }
0x3c: {  	p2 =	seq.s32 s10, $0x1;
	s10 =	sld [smem:$0x3FBA]  }
0x3d: {  	_ =	shalt  }
0x3e: {  	_ =	shalt  }
0x3f: {  	_ =	shalt  }
0x40: {  	_ =	shalt  }
0x41: {  	_ =	shalt  }
0x42: {  	_ =	shalt  }
0x43: {  	_ =	shalt  }
0x44: {  	_ =	shalt  }
0x45: {  	_ =	shalt  }
0x46: {  	_ =	shalt  }
0x47: {  	_ =	shalt  }
0x48: {  	_ =	shalt  }
0x49: {  	_ =	shalt  }
0x4a: {  	_ =	shalt  }
0x4b: {  	_ =	shalt  }
0x4c: {  	_ =	shalt  }
0x4d: {  	_ =	shalt  }
0x4e: {  	_ =	shalt  }
0x4f: {  	_ =	shalt  }
0x50: {  	_ =	shalt  }
0x51: {  	_ =	shalt  }
0x52: {  	_ =	shalt  }
0x53: {  	_ =	shalt  }
0x54: {  	_ =	shalt  }
0x55: {  	_ =	shalt  }
0x56: {  	_ =	shalt  }
0x57: {  	_ =	shalt  }
0x58: {  	_ =	shalt  }
0x59: {  	_ =	shalt  }
0x5a: {  	_ =	shalt  }
0x5b: {  	_ =	shalt  }
0x5c: {  	_ =	shalt  }
0x5d: {  	_ =	shalt  }
0x5e: {  	_ =	shalt  }
0x5f: {  	_ =	shalt  }
0x60: {  	_ =	shalt  }
0x61: {  	_ =	shalt  }
0x62: {  	_ =	shalt  }
0x63: {  	_ =	shalt  }
0x64: {  	_ =	shalt  }
0x65: {  	_ =	shalt  }
0x66: {  	_ =	shalt  }
0x67: {  	_ =	shalt  }
0x68: {  	_ =	shalt  }
0x69: {  	_ =	shalt  }
0x6a: {  	_ =	shalt  }
0x6b: {  	_ =	shalt  }
0x6c: {  	_ =	shalt  }
0x6d: {  	_ =	shalt  }
0x6e: {  	_ =	shalt  }
0x6f: {  	_ =	shalt  }
0x70: {  	_ =	shalt  }
0x71: {  	_ =	shalt  }
0x72: {  	_ =	shalt  }
0x73: {  	_ =	shalt  }
0x74: {  	_ =	shalt  }
0x75: {  	_ =	shalt  }
0x76: {  	_ =	shalt  }
0x77: {  	_ =	shalt  }
0x78: {  	_ =	shalt  }
0x79: {  	_ =	shalt  }
0x7a: {  	_ =	shalt  }
0x7b: {  	_ =	shalt  }
0x7c: {  	_ =	shalt  }
0x7d: {  	_ =	shalt  }
0x7e: {  	_ =	shalt  }
0x7f: {  	_ =	shalt  }
0x80: {  	_ =	shalt  }
0x81: {  	_ =	shalt  }
0x82: {  	_ =	shalt  }
0x83: {  	_ =	shalt  }
0x84: {  	_ =	shalt  }
0x85: {  	_ =	shalt  }
0x86: {  	_ =	shalt  }
0x87: {  	_ =	shalt  }
.Lfunc_end0:
.L_simem_size_0:
called_computation_lowered:
.L_overlay_start_0:
0x88: {  	s2 =	sld [smem:$0x3FD9]  }
0x89: {  	s3 =	sld [smem:$0x3FFE];
	_ =	sdelay $0x1  }
0x8a: {  	s1 =	srdreg.scid  }
0x8b: {  	s0 =	sand.u32 $0x1, s1  }
0x8c: {  	s17 =	sshll.u32 s0, $0xA;
	s2 =	sadd.s32 s3, s2  }
0x8d: {  	s2 =	sadd.s32 s2, s17  }
0x8e: {  	[smem:$0x3FC6] =	sst s2  }
0x8f: {  	_ = 	snop  }
0x90: {  	s2 =	sld [smem:$0x3FC9];
	(tm) =	ssettm $0x1  }
0x91: {  	s18 =	sld [smem:$0x3FFB];
	_ =	sdelay $0x3  }
0x92: {  	_ =	strace s18  }
0x93: {  	s3 =	sld [smem:$0x3FFC];
	_ =	sdelay $0x3  }
0x94: {  	_ =	strace s3  }
0x95: {  	s3 =	sld [smem:$0x3FFD];
	_ =	sdelay $0x3  }
0x96: {  	_ =	strace s3  }
0x97: {  	_ =	strace $0x8FFFFFFF  }
0x98: {  	s19 =	sld [smem:$0x3FDB];
	_ =	sdelay $0x1  }
0x99: {  	s4 =	simm.s32 $_scs_section_size  }
0x9a: {  	s5 =	simm.s32 $_size__tile_overlayer_lowered;
	s6 =	simm.s32 $_tile_overlayer_lowered  }
0x9b: {  	s22 =	simm.s32 $0x1BFF;
	s21 =	sshll.u32 s6, $0x1;
	s3 =	sadd.s32 s4, s19  }
0x9c: {  	s7 =	simm.s32 $0x0;
	s20 =	sshll.u32 s5, $0x1;
	s5 =	sadd.s32 s21, s3  }
0x9d: {  	[timem:s7], [sflag:s22] =	dma.local [hbm:s5], s20  }
0x9e: {  	_ =	swait.ge [sflag:s22], s20  }
0x9f: {  	s4 =	ssub.s32 $0x0, s20;
	[sflag:s22] =	ssyncset.done $0x0  }
0xa0: {  	[sflag:s22] =	ssyncadd.s32 s4;
	_ =	sdelay $0x1  }
0xa1: {  	s23 =	simm.s32 $0x1B8B  }
0xa2: {  	_ =	swait.ge [sflag:s23], $0x1  }
0xa3: {  	[sflag:s23] =	ssyncset.done $0x0  }
0xa4: {  	s25 =	simm.s32 $0x1B8E;
	s24 =	sld [smem:$0x3FFE];
	[sflag:s23] =	ssyncadd.s32 $0xFFFFFFFF  }
0xa5: {  	s26 =	simm.s32 $execute0_lowered;
	[smem:$0x3FD2] =	sst s25  }
0xa6: {  	s5 =	sshll.u32 s26, $0x1;
	_ =	strace $0x80000046;
	[dreg:$0x1] =	wrdreg $0xFFFFFFFF  }
0xa7: {  	s28 =	simm.s32 $_size_execute0_lowered;
	s3 =	sadd.s32 s3, s5;
	[dreg:$0x0] =	wrdreg $0x0  }
0xa8: {  	s5 =	sshll.u32 s28, $0x1;
	[dreg:$0x2] =	wrdreg s3  }
0xa9: {  	[dreg:$0x3] =	wrdreg s5  }
0xaa: {  	[dreg:$0x4] =	wrdreg $0xC0  }
0xab: {  	_ =	task [dreg:s7], $0x5FFFF  }
0xac: {  	[dreg:$0x1] =	wrdreg $0xFFFFFFFF  }
0xad: {  	[dreg:$0x0] =	wrdreg $0x60  }
0xae: {  	[dreg:$0x2] =	wrdreg s2  }
0xaf: {  	[dreg:$0x3] =	wrdreg s24  }
0xb0: {  	[dreg:$0x4] =	wrdreg $0x9  }
0xb1: {  	_ =	task.clear_ibuf [dreg:s7], $0x5FFFF;
	_ =	strace $0x90000046  }
0xb2: {  	s29 =	simm.s32 $0x9;
	_ =	strace $0x80000048  }
0xb3: {  	_ =	swait.ge [sflag:s29], $0x1  }
0xb4: {  	[sflag:s29] =	ssyncadd.s32 $0xFFFFFFFF  }
0xb5: {  	_ =	strace $0x90000048  }
0xb6: {  	_ =	sfence  }
0xb7: {  	s30 =	sld [smem:$0x0];
	_ =	sdelay $0x2  }
0xb8: {  	s31 =	sshll.u32 s1, $0xD;
	s1 =	sshrl.u32 s1, $0x2  }
0xb9: {  	s3 =	sand.u32 $0x4000, s31;
	s1 =	sadd.s32 s1, s30  }
0xba: {  	s0 =	sor.u32 s3, s0;
	s1 =	sshll.u32 s1, $0x11  }
0xbb: {  	s0 =	sor.u32 s1, s0  }
0xbc: {  	s0 =	sadd.s32 $0x8F2B, s0  }
0xbd: {  	[sflag:s0] =	ssyncadd.remote.s32 $0x1  }
0xbe: {  	_ =	sfence.sel $0xFFFF  }
0xbf: {  	[dreg:$0x0] =	wrdreg $0xFFFFFFFF;
	(pc) =	sbr.abs _section_cstart, $3  }
0xc0: {  	[dreg:$0x1] =	wrdreg $0xFFFFFFFF  }
0xc1: {  	_ =	task.clear_ibuf [dreg:s7], $0x2FFFF;
	_ =	strace $0x9FFFFFFF  }
0xc2: {  	(tm) =	ssettm $0x7FFFFFFF  }
0xc3: {  	_ =	shalt  }
tec
execute0_lowered:
.L_overlay_start_1:
0x0: {  	(tag) =	ssettag $0x1  }
0x1: {  	s1 =	rddreg [dreg:$0x0]  }
0x2: {  	s2 =	rddreg [dreg:$0x1];
	s3 =	srdreg.scid  }
0x3: {  	s0 =	rddreg [dreg:$0x2];
	s4 =	simm.s32 $0x0;
	v0 =	vlaneseq.u32;
	s10 =	simm.s32 $0x80  }
0x4: {  	s11 =	simm.s32 $0x100;
	s12 =	simm.s32 $0x4100;
	s13 =	simm.s32 $0x1;
	v0 =	vmul.u32 $0x10, v0  }
0x5: {  	s14 =	simm.s32 $0x2;
	s15 =	simm.s32 $0x8100;
	s16 =	simm.s32 $0x8200  }
0x6: {  	s17 =	simm.s32 $0x0;
	s6 =	sand.u32 $0x1, s3;
	[smem:$0x7FF] =	sst s4;
	v1 =	vor.u32 $0x1, v0;
	v2 =	vor.u32 $0x2, v0;
	v3 =	vor.u32 $0x3, v0  }
0x7: {  	s3 =	stileid.u32;
	s5 =	sadd.s32 $0x9E00, s2;
	s7 =	ssub.s32 $0x2, s6;
	v4 =	vor.u32 $0x4, v0;
	v5 =	vor.u32 $0x5, v0;
	v6 =	vor.u32 $0x6, v0  }
0x8: {  	_ =	strace $0x80000047;
	s9 =	sshll.u32 s3, $0x1;
	s8 =	sshrl.u32 s7, $0x1;
	v7 =	vor.u32 $0x7, v0;
	v8 =	vor.u32 $0x8, v0;
	v9 =	vor.u32 $0x9, v0  }
0x9: {  	s31 =	sor.u32 s6, s9;
	s6 =	sadd.s32 $0x13C00, s2;
	v10 =	vor.u32 $0xA, v0;
	v11 =	vor.u32 $0xB, v0;
	v12 =	vor.u32 $0xC, v0;
	s8 =	ssub.s32 s7, s8  }
0xa: {  	s9 =	simm.s32 $0x3;
	v13 =	vor.u32 $0xD, v0;
	v14 =	vor.u32 $0xE, v0;
	v15 =	vor.u32 $0xF, v0;
	s7 =	smul.u32 $0x4F, s31;
	s8 =	smax.u32 s8, $0x1  }
.LBB2_1:
0xb: {  	s18 =	simm.s32 $0x0  }
.LBB2_2:
0xc: {  	s19 =	sadd.s32 s7, s18  }
0xd: {  	s19 =	sshll.u32 s19, $0x4  }
0xe: {  	s20 =	simm.s32 $0x0;
	s21 =	sadd.s32 s5, s19  }
0xf: {  	[tilespmem:s20], [sflag:$0x3] =	stream.linear.gather [hbm4b:s21+s20], $0x80, $0x38;
	[tilespmem:$0x8280] =	vst v63  }
0x10: {  	_ =	swait.ge [sflag:s9], $0x80  }
0x11: {  	[sflag:s9] =	ssyncset.done $0x0  }
0x12: {  	s31 =	sadd.s32 s2, s19;
	[sflag:s9] =	ssyncadd.s32 $0xFFFFFF80  }
0x13: {  	[tilespmem:s10], [sflag:$0x3] =	stream.linear.gather [hbm4b:s31+s20], $0x80, $0x38;
	[tilespmem:$0x8280] =	vst v63  }
0x14: {  	_ =	swait.ge [sflag:s9], $0x80  }
0x15: {  	[sflag:s9] =	ssyncset.done $0x0  }
0x16: {  	[sflag:s9] =	ssyncadd.s32 $0xFFFFFF80  }
0x17: {  	[tilespmem:s11], [sflag:$0x1] =	stream.indirect.gather [hbm4b:s1+s10], $0x80, s20, s10, $0xb8;
	[tilespmem:$0x8280] =	vst v63  }
0x18: {  	_ = 	snop  }
0x19: {  	[tilespmem:s12], [sflag:$0x2] =	stream.indirect.gather [hbm4b:s1+s10], $0x80, s10, s10, $0xb8;
	[tilespmem:$0x8280] =	vst v63  }
0x1a: {  	_ =	swait.ge [sflag:s13], $0x4000  }
0x1b: {  	[sflag:s13] =	ssyncset.done $0x0  }
0x1c: {  	[sflag:s13] =	ssyncadd.s32 $0xFFFFC000  }
0x1d: {  	_ =	swait.ge [sflag:s14], $0x4000  }
0x1e: {  	[sflag:s14] =	ssyncset.done $0x0  }
0x1f: {  	[sflag:s14] =	ssyncadd.s32 $0xFFFFC000  }
.LBB2_3:
0x20: {  	s21 =	sshll.u32 s20, $0xB  }
0x21: {  	v16 =	vld [tilespmem:s21+$0x100]  }
0x22: {  	v17 =	vld [tilespmem:s21+$0x4100]  }
0x23: {  	v18 =	vld [tilespmem:s21+$0x110]  }
0x24: {  	v19 =	vld [tilespmem:s21+$0x4110]  }
0x25: {  	v20 =	vld [tilespmem:s21+$0x120]  }
0x26: {  	v21 =	vld [tilespmem:s21+$0x4120]  }
0x27: {  	v22 =	vld [tilespmem:s21+$0x130]  }
0x28: {  	v23 =	vld [tilespmem:s21+$0x4130]  }
0x29: {  	v36 =	vld [tilespmem:s21+$0x140];
	v16 =	vmul.f32 v17, v16;
	v17 =	vmul.f32 v19, v18  }
0x2a: {  	v37 =	vld [tilespmem:s21+$0x4140]  }
0x2b: {  	v38 =	vld [tilespmem:s21+$0x150];
	v16 =	vadd.f32 v17, v16;
	v17 =	vmul.f32 v21, v20  }
0x2c: {  	v39 =	vld [tilespmem:s21+$0x4150]  }
0x2d: {  	v40 =	vld [tilespmem:s21+$0x160];
	v16 =	vadd.f32 v17, v16;
	v17 =	vmul.f32 v23, v22  }
0x2e: {  	v41 =	vld [tilespmem:s21+$0x4160]  }
0x2f: {  	v42 =	vld [tilespmem:s21+$0x170];
	v16 =	vadd.f32 v17, v16;
	v17 =	vmul.f32 v37, v36  }
0x30: {  	v43 =	vld [tilespmem:s21+$0x4170]  }
0x31: {  	v16 =	vadd.f32 v17, v16;
	v17 =	vmul.f32 v39, v38;
	_ =	sdelay $0x1  }
0x32: {  	v16 =	vadd.f32 v17, v16;
	v17 =	vmul.f32 v41, v40;
	_ =	sdelay $0x1  }
0x33: {  	v16 =	vadd.f32 v17, v16;
	v17 =	vmul.f32 v43, v42;
	_ =	sdelay $0x1  }
0x34: {  	v16 =	vadd.f32 v17, v16;
	_ =	sdelay $0x1  }
0x35: {  	[tilespmem:$0x8100] =	vst v16  }
0x36: {  	v16 =	vld [tilespmem:s21+$0x180]  }
0x37: {  	v17 =	vld [tilespmem:s21+$0x4180]  }
0x38: {  	v44 =	vld [tilespmem:s21+$0x190]  }
0x39: {  	v45 =	vld [tilespmem:s21+$0x4190]  }
0x3a: {  	v46 =	vld [tilespmem:s21+$0x1A0]  }
0x3b: {  	v47 =	vld [tilespmem:s21+$0x41A0]  }
0x3c: {  	v48 =	vld [tilespmem:s21+$0x1B0]  }
0x3d: {  	v49 =	vld [tilespmem:s21+$0x41B0]  }
0x3e: {  	v50 =	vld [tilespmem:s21+$0x1C0];
	v16 =	vmul.f32 v17, v16;
	v17 =	vmul.f32 v45, v44  }
0x3f: {  	v51 =	vld [tilespmem:s21+$0x41C0]  }
0x40: {  	v52 =	vld [tilespmem:s21+$0x1D0];
	v16 =	vadd.f32 v17, v16;
	v17 =	vmul.f32 v47, v46  }
0x41: {  	v53 =	vld [tilespmem:s21+$0x41D0]  }
0x42: {  	v54 =	vld [tilespmem:s21+$0x1E0];
	v16 =	vadd.f32 v17, v16;
	v17 =	vmul.f32 v49, v48  }
0x43: {  	v55 =	vld [tilespmem:s21+$0x41E0]  }
0x44: {  	v56 =	vld [tilespmem:s21+$0x1F0];
	v16 =	vadd.f32 v17, v16;
	v17 =	vmul.f32 v51, v50  }
0x45: {  	v57 =	vld [tilespmem:s21+$0x41F0]  }
0x46: {  	v16 =	vadd.f32 v17, v16;
	v17 =	vmul.f32 v53, v52;
	_ =	sdelay $0x1  }
0x47: {  	v16 =	vadd.f32 v17, v16;
	v17 =	vmul.f32 v55, v54;
	_ =	sdelay $0x1  }
0x48: {  	v16 =	vadd.f32 v17, v16;
	v17 =	vmul.f32 v57, v56;
	_ =	sdelay $0x1  }
0x49: {  	v16 =	vadd.f32 v17, v16;
	_ =	sdelay $0x1  }
0x4a: {  	[tilespmem:$0x8110] =	vst v16  }
0x4b: {  	v16 =	vld [tilespmem:s21+$0x200]  }
0x4c: {  	v17 =	vld [tilespmem:s21+$0x4200]  }
0x4d: {  	v58 =	vld [tilespmem:s21+$0x210]  }
0x4e: {  	v59 =	vld [tilespmem:s21+$0x4210]  }
0x4f: {  	v60 =	vld [tilespmem:s21+$0x220]  }
0x50: {  	v61 =	vld [tilespmem:s21+$0x4220]  }
0x51: {  	v62 =	vld [tilespmem:s21+$0x230]  }
0x52: {  	v63 =	vld [tilespmem:s21+$0x4230]  }
0x53: {  	v24 =	vld [tilespmem:s21+$0x240];
	v16 =	vmul.f32 v17, v16;
	v17 =	vmul.f32 v59, v58  }
0x54: {  	v25 =	vld [tilespmem:s21+$0x4240]  }
0x55: {  	v26 =	vld [tilespmem:s21+$0x250];
	v16 =	vadd.f32 v17, v16;
	v17 =	vmul.f32 v61, v60  }
0x56: {  	v27 =	vld [tilespmem:s21+$0x4250]  }
0x57: {  	v28 =	vld [tilespmem:s21+$0x260];
	v16 =	vadd.f32 v17, v16;
	v17 =	vmul.f32 v63, v62  }
0x58: {  	v29 =	vld [tilespmem:s21+$0x4260]  }
0x59: {  	v30 =	vld [tilespmem:s21+$0x270];
	v16 =	vadd.f32 v17, v16;
	v17 =	vmul.f32 v25, v24  }
0x5a: {  	v31 =	vld [tilespmem:s21+$0x4270]  }
0x5b: {  	v16 =	vadd.f32 v17, v16;
	v17 =	vmul.f32 v27, v26;
	_ =	sdelay $0x1  }
0x5c: {  	v16 =	vadd.f32 v17, v16;
	v17 =	vmul.f32 v29, v28;
	_ =	sdelay $0x1  }
0x5d: {  	v16 =	vadd.f32 v17, v16;
	v17 =	vmul.f32 v31, v30;
	_ =	sdelay $0x1  }
0x5e: {  	v16 =	vadd.f32 v17, v16;
	_ =	sdelay $0x1  }
0x5f: {  	[tilespmem:$0x8120] =	vst v16  }
0x60: {  	v16 =	vld [tilespmem:s21+$0x280]  }
0x61: {  	v17 =	vld [tilespmem:s21+$0x4280]  }
0x62: {  	v32 =	vld [tilespmem:s21+$0x290]  }
0x63: {  	v33 =	vld [tilespmem:s21+$0x4290]  }
0x64: {  	v34 =	vld [tilespmem:s21+$0x2A0]  }
0x65: {  	v35 =	vld [tilespmem:s21+$0x42A0]  }
0x66: {  	v36 =	vld [tilespmem:s21+$0x2B0]  }
0x67: {  	v37 =	vld [tilespmem:s21+$0x42B0]  }
0x68: {  	v38 =	vld [tilespmem:s21+$0x2C0];
	v16 =	vmul.f32 v17, v16;
	v17 =	vmul.f32 v33, v32  }
0x69: {  	v39 =	vld [tilespmem:s21+$0x42C0]  }
0x6a: {  	v40 =	vld [tilespmem:s21+$0x2D0];
	v16 =	vadd.f32 v17, v16;
	v17 =	vmul.f32 v35, v34  }
0x6b: {  	v41 =	vld [tilespmem:s21+$0x42D0]  }
0x6c: {  	v42 =	vld [tilespmem:s21+$0x2E0];
	v16 =	vadd.f32 v17, v16;
	v17 =	vmul.f32 v37, v36  }
0x6d: {  	v43 =	vld [tilespmem:s21+$0x42E0]  }
0x6e: {  	v44 =	vld [tilespmem:s21+$0x2F0];
	v16 =	vadd.f32 v17, v16;
	v17 =	vmul.f32 v39, v38  }
0x6f: {  	v45 =	vld [tilespmem:s21+$0x42F0]  }
0x70: {  	v16 =	vadd.f32 v17, v16;
	v17 =	vmul.f32 v41, v40;
	_ =	sdelay $0x1  }
0x71: {  	v16 =	vadd.f32 v17, v16;
	v17 =	vmul.f32 v43, v42;
	_ =	sdelay $0x1  }
0x72: {  	v16 =	vadd.f32 v17, v16;
	v17 =	vmul.f32 v45, v44;
	_ =	sdelay $0x1  }
0x73: {  	v16 =	vadd.f32 v17, v16;
	_ =	sdelay $0x1  }
0x74: {  	[tilespmem:$0x8130] =	vst v16  }
0x75: {  	v16 =	vld [tilespmem:s21+$0x300]  }
0x76: {  	v17 =	vld [tilespmem:s21+$0x4300]  }
0x77: {  	v46 =	vld [tilespmem:s21+$0x310]  }
0x78: {  	v47 =	vld [tilespmem:s21+$0x4310]  }
0x79: {  	v48 =	vld [tilespmem:s21+$0x320]  }
0x7a: {  	v49 =	vld [tilespmem:s21+$0x4320]  }
0x7b: {  	v50 =	vld [tilespmem:s21+$0x330]  }
0x7c: {  	v51 =	vld [tilespmem:s21+$0x4330]  }
0x7d: {  	v52 =	vld [tilespmem:s21+$0x340];
	v16 =	vmul.f32 v17, v16;
	v17 =	vmul.f32 v47, v46  }
0x7e: {  	v53 =	vld [tilespmem:s21+$0x4340]  }
0x7f: {  	v54 =	vld [tilespmem:s21+$0x350];
	v16 =	vadd.f32 v17, v16;
	v17 =	vmul.f32 v49, v48  }
0x80: {  	v55 =	vld [tilespmem:s21+$0x4350]  }
0x81: {  	v56 =	vld [tilespmem:s21+$0x360];
	v16 =	vadd.f32 v17, v16;
	v17 =	vmul.f32 v51, v50  }
0x82: {  	v57 =	vld [tilespmem:s21+$0x4360]  }
0x83: {  	v58 =	vld [tilespmem:s21+$0x370];
	v16 =	vadd.f32 v17, v16;
	v17 =	vmul.f32 v53, v52  }
0x84: {  	v59 =	vld [tilespmem:s21+$0x4370]  }
0x85: {  	v16 =	vadd.f32 v17, v16;
	v17 =	vmul.f32 v55, v54;
	_ =	sdelay $0x1  }
0x86: {  	v16 =	vadd.f32 v17, v16;
	v17 =	vmul.f32 v57, v56;
	_ =	sdelay $0x1  }
0x87: {  	v16 =	vadd.f32 v17, v16;
	v17 =	vmul.f32 v59, v58;
	_ =	sdelay $0x1  }
0x88: {  	v16 =	vadd.f32 v17, v16;
	_ =	sdelay $0x1  }
0x89: {  	[tilespmem:$0x8140] =	vst v16  }
0x8a: {  	v16 =	vld [tilespmem:s21+$0x380]  }
0x8b: {  	v17 =	vld [tilespmem:s21+$0x4380]  }
0x8c: {  	v60 =	vld [tilespmem:s21+$0x390]  }
0x8d: {  	v61 =	vld [tilespmem:s21+$0x4390]  }
0x8e: {  	v62 =	vld [tilespmem:s21+$0x3A0]  }
0x8f: {  	v63 =	vld [tilespmem:s21+$0x43A0]  }
0x90: {  	v24 =	vld [tilespmem:s21+$0x3B0]  }
0x91: {  	v25 =	vld [tilespmem:s21+$0x43B0]  }
0x92: {  	v26 =	vld [tilespmem:s21+$0x3C0];
	v16 =	vmul.f32 v17, v16;
	v17 =	vmul.f32 v61, v60  }
0x93: {  	v27 =	vld [tilespmem:s21+$0x43C0]  }
0x94: {  	v28 =	vld [tilespmem:s21+$0x3D0];
	v16 =	vadd.f32 v17, v16;
	v17 =	vmul.f32 v63, v62  }
0x95: {  	v29 =	vld [tilespmem:s21+$0x43D0]  }
0x96: {  	v30 =	vld [tilespmem:s21+$0x3E0];
	v16 =	vadd.f32 v17, v16;
	v17 =	vmul.f32 v25, v24  }
0x97: {  	v31 =	vld [tilespmem:s21+$0x43E0]  }
0x98: {  	v32 =	vld [tilespmem:s21+$0x3F0];
	v16 =	vadd.f32 v17, v16;
	v17 =	vmul.f32 v27, v26  }
0x99: {  	v33 =	vld [tilespmem:s21+$0x43F0]  }
0x9a: {  	v16 =	vadd.f32 v17, v16;
	v17 =	vmul.f32 v29, v28;
	_ =	sdelay $0x1  }
0x9b: {  	v16 =	vadd.f32 v17, v16;
	v17 =	vmul.f32 v31, v30;
	_ =	sdelay $0x1  }
0x9c: {  	v16 =	vadd.f32 v17, v16;
	v17 =	vmul.f32 v33, v32;
	_ =	sdelay $0x1  }
0x9d: {  	v16 =	vadd.f32 v17, v16;
	_ =	sdelay $0x1  }
0x9e: {  	[tilespmem:$0x8150] =	vst v16  }
0x9f: {  	v16 =	vld [tilespmem:s21+$0x400]  }
0xa0: {  	v17 =	vld [tilespmem:s21+$0x4400]  }
0xa1: {  	v34 =	vld [tilespmem:s21+$0x410]  }
0xa2: {  	v35 =	vld [tilespmem:s21+$0x4410]  }
0xa3: {  	v36 =	vld [tilespmem:s21+$0x420]  }
0xa4: {  	v37 =	vld [tilespmem:s21+$0x4420]  }
0xa5: {  	v38 =	vld [tilespmem:s21+$0x430]  }
0xa6: {  	v39 =	vld [tilespmem:s21+$0x4430]  }
0xa7: {  	v40 =	vld [tilespmem:s21+$0x440];
	v16 =	vmul.f32 v17, v16;
	v17 =	vmul.f32 v35, v34  }
0xa8: {  	v41 =	vld [tilespmem:s21+$0x4440]  }
0xa9: {  	v42 =	vld [tilespmem:s21+$0x450];
	v16 =	vadd.f32 v17, v16;
	v17 =	vmul.f32 v37, v36  }
0xaa: {  	v43 =	vld [tilespmem:s21+$0x4450]  }
0xab: {  	v44 =	vld [tilespmem:s21+$0x460];
	v16 =	vadd.f32 v17, v16;
	v17 =	vmul.f32 v39, v38  }
0xac: {  	v45 =	vld [tilespmem:s21+$0x4460]  }
0xad: {  	v46 =	vld [tilespmem:s21+$0x470];
	v16 =	vadd.f32 v17, v16;
	v17 =	vmul.f32 v41, v40  }
0xae: {  	v47 =	vld [tilespmem:s21+$0x4470]  }
0xaf: {  	v16 =	vadd.f32 v17, v16;
	v17 =	vmul.f32 v43, v42;
	_ =	sdelay $0x1  }
0xb0: {  	v16 =	vadd.f32 v17, v16;
	v17 =	vmul.f32 v45, v44;
	_ =	sdelay $0x1  }
0xb1: {  	v16 =	vadd.f32 v17, v16;
	v17 =	vmul.f32 v47, v46;
	_ =	sdelay $0x1  }
0xb2: {  	v16 =	vadd.f32 v17, v16;
	_ =	sdelay $0x1  }
0xb3: {  	[tilespmem:$0x8160] =	vst v16  }
0xb4: {  	v16 =	vld [tilespmem:s21+$0x480]  }
0xb5: {  	v17 =	vld [tilespmem:s21+$0x4480]  }
0xb6: {  	v48 =	vld [tilespmem:s21+$0x490]  }
0xb7: {  	v49 =	vld [tilespmem:s21+$0x4490]  }
0xb8: {  	v50 =	vld [tilespmem:s21+$0x4A0]  }
0xb9: {  	v51 =	vld [tilespmem:s21+$0x44A0]  }
0xba: {  	v52 =	vld [tilespmem:s21+$0x4B0]  }
0xbb: {  	v53 =	vld [tilespmem:s21+$0x44B0]  }
0xbc: {  	v54 =	vld [tilespmem:s21+$0x4C0];
	v16 =	vmul.f32 v17, v16;
	v17 =	vmul.f32 v49, v48  }
0xbd: {  	v55 =	vld [tilespmem:s21+$0x44C0]  }
0xbe: {  	v56 =	vld [tilespmem:s21+$0x4D0];
	v16 =	vadd.f32 v17, v16;
	v17 =	vmul.f32 v51, v50  }
0xbf: {  	v57 =	vld [tilespmem:s21+$0x44D0]  }
0xc0: {  	v58 =	vld [tilespmem:s21+$0x4E0];
	v16 =	vadd.f32 v17, v16;
	v17 =	vmul.f32 v53, v52  }
0xc1: {  	v59 =	vld [tilespmem:s21+$0x44E0]  }
0xc2: {  	v60 =	vld [tilespmem:s21+$0x4F0];
	v16 =	vadd.f32 v17, v16;
	v17 =	vmul.f32 v55, v54  }
0xc3: {  	v61 =	vld [tilespmem:s21+$0x44F0]  }
0xc4: {  	v16 =	vadd.f32 v17, v16;
	v17 =	vmul.f32 v57, v56;
	_ =	sdelay $0x1  }
0xc5: {  	v16 =	vadd.f32 v17, v16;
	v17 =	vmul.f32 v59, v58;
	_ =	sdelay $0x1  }
0xc6: {  	v16 =	vadd.f32 v17, v16;
	v17 =	vmul.f32 v61, v60;
	_ =	sdelay $0x1  }
0xc7: {  	v16 =	vadd.f32 v17, v16;
	_ =	sdelay $0x1  }
0xc8: {  	[tilespmem:$0x8170] =	vst v16  }
0xc9: {  	v16 =	vld [tilespmem:s21+$0x500]  }
0xca: {  	v17 =	vld [tilespmem:s21+$0x4500]  }
0xcb: {  	v62 =	vld [tilespmem:s21+$0x510]  }
0xcc: {  	v63 =	vld [tilespmem:s21+$0x4510]  }
0xcd: {  	v24 =	vld [tilespmem:s21+$0x520]  }
0xce: {  	v25 =	vld [tilespmem:s21+$0x4520]  }
0xcf: {  	v26 =	vld [tilespmem:s21+$0x530]  }
0xd0: {  	v27 =	vld [tilespmem:s21+$0x4530]  }
0xd1: {  	v28 =	vld [tilespmem:s21+$0x540];
	v16 =	vmul.f32 v17, v16;
	v17 =	vmul.f32 v63, v62  }
0xd2: {  	v29 =	vld [tilespmem:s21+$0x4540]  }
0xd3: {  	v30 =	vld [tilespmem:s21+$0x550];
	v16 =	vadd.f32 v17, v16;
	v17 =	vmul.f32 v25, v24  }
0xd4: {  	v31 =	vld [tilespmem:s21+$0x4550]  }
0xd5: {  	v32 =	vld [tilespmem:s21+$0x560];
	v16 =	vadd.f32 v17, v16;
	v17 =	vmul.f32 v27, v26  }
0xd6: {  	v33 =	vld [tilespmem:s21+$0x4560]  }
0xd7: {  	v34 =	vld [tilespmem:s21+$0x570];
	v16 =	vadd.f32 v17, v16;
	v17 =	vmul.f32 v29, v28  }
0xd8: {  	v35 =	vld [tilespmem:s21+$0x4570]  }
0xd9: {  	v16 =	vadd.f32 v17, v16;
	v17 =	vmul.f32 v31, v30;
	_ =	sdelay $0x1  }
0xda: {  	v16 =	vadd.f32 v17, v16;
	v17 =	vmul.f32 v33, v32;
	_ =	sdelay $0x1  }
0xdb: {  	v16 =	vadd.f32 v17, v16;
	v17 =	vmul.f32 v35, v34;
	_ =	sdelay $0x1  }
0xdc: {  	v16 =	vadd.f32 v17, v16;
	_ =	sdelay $0x1  }
0xdd: {  	[tilespmem:$0x8180] =	vst v16  }
0xde: {  	v16 =	vld [tilespmem:s21+$0x580]  }
0xdf: {  	v17 =	vld [tilespmem:s21+$0x4580]  }
0xe0: {  	v36 =	vld [tilespmem:s21+$0x590]  }
0xe1: {  	v37 =	vld [tilespmem:s21+$0x4590]  }
0xe2: {  	v38 =	vld [tilespmem:s21+$0x5A0]  }
0xe3: {  	v39 =	vld [tilespmem:s21+$0x45A0]  }
0xe4: {  	v40 =	vld [tilespmem:s21+$0x5B0]  }
0xe5: {  	v41 =	vld [tilespmem:s21+$0x45B0]  }
0xe6: {  	v42 =	vld [tilespmem:s21+$0x5C0];
	v16 =	vmul.f32 v17, v16;
	v17 =	vmul.f32 v37, v36  }
0xe7: {  	v43 =	vld [tilespmem:s21+$0x45C0]  }
0xe8: {  	v44 =	vld [tilespmem:s21+$0x5D0];
	v16 =	vadd.f32 v17, v16;
	v17 =	vmul.f32 v39, v38  }
0xe9: {  	v45 =	vld [tilespmem:s21+$0x45D0]  }
0xea: {  	v46 =	vld [tilespmem:s21+$0x5E0];
	v16 =	vadd.f32 v17, v16;
	v17 =	vmul.f32 v41, v40  }
0xeb: {  	v47 =	vld [tilespmem:s21+$0x45E0]  }
0xec: {  	v48 =	vld [tilespmem:s21+$0x5F0];
	v16 =	vadd.f32 v17, v16;
	v17 =	vmul.f32 v43, v42  }
0xed: {  	v49 =	vld [tilespmem:s21+$0x45F0]  }
0xee: {  	v16 =	vadd.f32 v17, v16;
	v17 =	vmul.f32 v45, v44;
	_ =	sdelay $0x1  }
0xef: {  	v16 =	vadd.f32 v17, v16;
	v17 =	vmul.f32 v47, v46;
	_ =	sdelay $0x1  }
0xf0: {  	v16 =	vadd.f32 v17, v16;
	v17 =	vmul.f32 v49, v48;
	_ =	sdelay $0x1  }
0xf1: {  	v16 =	vadd.f32 v17, v16;
	_ =	sdelay $0x1  }
0xf2: {  	[tilespmem:$0x8190] =	vst v16  }
0xf3: {  	v16 =	vld [tilespmem:s21+$0x600]  }
0xf4: {  	v17 =	vld [tilespmem:s21+$0x4600]  }
0xf5: {  	v50 =	vld [tilespmem:s21+$0x610]  }
0xf6: {  	v51 =	vld [tilespmem:s21+$0x4610]  }
0xf7: {  	v52 =	vld [tilespmem:s21+$0x620]  }
0xf8: {  	v53 =	vld [tilespmem:s21+$0x4620]  }
0xf9: {  	v54 =	vld [tilespmem:s21+$0x630]  }
0xfa: {  	v55 =	vld [tilespmem:s21+$0x4630]  }
0xfb: {  	v56 =	vld [tilespmem:s21+$0x640];
	v16 =	vmul.f32 v17, v16;
	v17 =	vmul.f32 v51, v50  }
0xfc: {  	v57 =	vld [tilespmem:s21+$0x4640]  }
0xfd: {  	v58 =	vld [tilespmem:s21+$0x650];
	v16 =	vadd.f32 v17, v16;
	v17 =	vmul.f32 v53, v52  }
0xfe: {  	v59 =	vld [tilespmem:s21+$0x4650]  }
0xff: {  	v60 =	vld [tilespmem:s21+$0x660];
	v16 =	vadd.f32 v17, v16;
	v17 =	vmul.f32 v55, v54  }
0x100: {  	v61 =	vld [tilespmem:s21+$0x4660]  }
0x101: {  	v62 =	vld [tilespmem:s21+$0x670];
	v16 =	vadd.f32 v17, v16;
	v17 =	vmul.f32 v57, v56  }
0x102: {  	v63 =	vld [tilespmem:s21+$0x4670]  }
0x103: {  	v16 =	vadd.f32 v17, v16;
	v17 =	vmul.f32 v59, v58;
	_ =	sdelay $0x1  }
0x104: {  	v16 =	vadd.f32 v17, v16;
	v17 =	vmul.f32 v61, v60;
	_ =	sdelay $0x1  }
0x105: {  	v16 =	vadd.f32 v17, v16;
	v17 =	vmul.f32 v63, v62;
	_ =	sdelay $0x1  }
0x106: {  	v16 =	vadd.f32 v17, v16;
	_ =	sdelay $0x1  }
0x107: {  	[tilespmem:$0x81A0] =	vst v16  }
0x108: {  	v16 =	vld [tilespmem:s21+$0x680]  }
0x109: {  	v17 =	vld [tilespmem:s21+$0x4680]  }
0x10a: {  	v24 =	vld [tilespmem:s21+$0x690]  }
0x10b: {  	v25 =	vld [tilespmem:s21+$0x4690]  }
0x10c: {  	v26 =	vld [tilespmem:s21+$0x6A0]  }
0x10d: {  	v27 =	vld [tilespmem:s21+$0x46A0]  }
0x10e: {  	v28 =	vld [tilespmem:s21+$0x6B0]  }
0x10f: {  	v29 =	vld [tilespmem:s21+$0x46B0]  }
0x110: {  	v30 =	vld [tilespmem:s21+$0x6C0];
	v16 =	vmul.f32 v17, v16;
	v17 =	vmul.f32 v25, v24  }
0x111: {  	v31 =	vld [tilespmem:s21+$0x46C0]  }
0x112: {  	v32 =	vld [tilespmem:s21+$0x6D0];
	v16 =	vadd.f32 v17, v16;
	v17 =	vmul.f32 v27, v26  }
0x113: {  	v33 =	vld [tilespmem:s21+$0x46D0]  }
0x114: {  	v34 =	vld [tilespmem:s21+$0x6E0];
	v16 =	vadd.f32 v17, v16;
	v17 =	vmul.f32 v29, v28  }
0x115: {  	v35 =	vld [tilespmem:s21+$0x46E0]  }
0x116: {  	v36 =	vld [tilespmem:s21+$0x6F0];
	v16 =	vadd.f32 v17, v16;
	v17 =	vmul.f32 v31, v30  }
0x117: {  	v37 =	vld [tilespmem:s21+$0x46F0]  }
0x118: {  	v16 =	vadd.f32 v17, v16;
	v17 =	vmul.f32 v33, v32;
	_ =	sdelay $0x1  }
0x119: {  	v16 =	vadd.f32 v17, v16;
	v17 =	vmul.f32 v35, v34;
	_ =	sdelay $0x1  }
0x11a: {  	v16 =	vadd.f32 v17, v16;
	v17 =	vmul.f32 v37, v36;
	_ =	sdelay $0x1  }
0x11b: {  	v16 =	vadd.f32 v17, v16;
	_ =	sdelay $0x1  }
0x11c: {  	[tilespmem:$0x81B0] =	vst v16  }
0x11d: {  	v16 =	vld [tilespmem:s21+$0x700]  }
0x11e: {  	v17 =	vld [tilespmem:s21+$0x4700]  }
0x11f: {  	v38 =	vld [tilespmem:s21+$0x710]  }
0x120: {  	v39 =	vld [tilespmem:s21+$0x4710]  }
0x121: {  	v40 =	vld [tilespmem:s21+$0x720]  }
0x122: {  	v41 =	vld [tilespmem:s21+$0x4720]  }
0x123: {  	v42 =	vld [tilespmem:s21+$0x730]  }
0x124: {  	v43 =	vld [tilespmem:s21+$0x4730]  }
0x125: {  	v44 =	vld [tilespmem:s21+$0x740];
	v16 =	vmul.f32 v17, v16;
	v17 =	vmul.f32 v39, v38  }
0x126: {  	v45 =	vld [tilespmem:s21+$0x4740]  }
0x127: {  	v46 =	vld [tilespmem:s21+$0x750];
	v16 =	vadd.f32 v17, v16;
	v17 =	vmul.f32 v41, v40  }
0x128: {  	v47 =	vld [tilespmem:s21+$0x4750]  }
0x129: {  	v48 =	vld [tilespmem:s21+$0x760];
	v16 =	vadd.f32 v17, v16;
	v17 =	vmul.f32 v43, v42  }
0x12a: {  	v49 =	vld [tilespmem:s21+$0x4760]  }
0x12b: {  	v50 =	vld [tilespmem:s21+$0x770];
	v16 =	vadd.f32 v17, v16;
	v17 =	vmul.f32 v45, v44  }
0x12c: {  	v51 =	vld [tilespmem:s21+$0x4770]  }
0x12d: {  	v16 =	vadd.f32 v17, v16;
	v17 =	vmul.f32 v47, v46;
	_ =	sdelay $0x1  }
0x12e: {  	v16 =	vadd.f32 v17, v16;
	v17 =	vmul.f32 v49, v48;
	_ =	sdelay $0x1  }
0x12f: {  	v16 =	vadd.f32 v17, v16;
	v17 =	vmul.f32 v51, v50;
	_ =	sdelay $0x1  }
0x130: {  	v16 =	vadd.f32 v17, v16;
	_ =	sdelay $0x1  }
0x131: {  	[tilespmem:$0x81C0] =	vst v16  }
0x132: {  	v16 =	vld [tilespmem:s21+$0x780]  }
0x133: {  	v17 =	vld [tilespmem:s21+$0x4780]  }
0x134: {  	v52 =	vld [tilespmem:s21+$0x790]  }
0x135: {  	v53 =	vld [tilespmem:s21+$0x4790]  }
0x136: {  	v54 =	vld [tilespmem:s21+$0x7A0]  }
0x137: {  	v55 =	vld [tilespmem:s21+$0x47A0]  }
0x138: {  	v56 =	vld [tilespmem:s21+$0x7B0]  }
0x139: {  	v57 =	vld [tilespmem:s21+$0x47B0]  }
0x13a: {  	v58 =	vld [tilespmem:s21+$0x7C0];
	v16 =	vmul.f32 v17, v16;
	v17 =	vmul.f32 v53, v52  }
0x13b: {  	v59 =	vld [tilespmem:s21+$0x47C0]  }
0x13c: {  	v60 =	vld [tilespmem:s21+$0x7D0];
	v16 =	vadd.f32 v17, v16;
	v17 =	vmul.f32 v55, v54  }
0x13d: {  	v61 =	vld [tilespmem:s21+$0x47D0]  }
0x13e: {  	v62 =	vld [tilespmem:s21+$0x7E0];
	v16 =	vadd.f32 v17, v16;
	v17 =	vmul.f32 v57, v56  }
0x13f: {  	v63 =	vld [tilespmem:s21+$0x47E0]  }
0x140: {  	v24 =	vld [tilespmem:s21+$0x7F0];
	v16 =	vadd.f32 v17, v16;
	v17 =	vmul.f32 v59, v58  }
0x141: {  	v25 =	vld [tilespmem:s21+$0x47F0]  }
0x142: {  	v16 =	vadd.f32 v17, v16;
	v17 =	vmul.f32 v61, v60;
	_ =	sdelay $0x1  }
0x143: {  	v16 =	vadd.f32 v17, v16;
	v17 =	vmul.f32 v63, v62;
	_ =	sdelay $0x1  }
0x144: {  	v16 =	vadd.f32 v17, v16;
	v17 =	vmul.f32 v25, v24;
	_ =	sdelay $0x1  }
0x145: {  	v16 =	vadd.f32 v17, v16;
	_ =	sdelay $0x1  }
0x146: {  	[tilespmem:$0x81D0] =	vst v16  }
0x147: {  	v16 =	vld [tilespmem:s21+$0x800]  }
0x148: {  	v17 =	vld [tilespmem:s21+$0x4800]  }
0x149: {  	v26 =	vld [tilespmem:s21+$0x810]  }
0x14a: {  	v27 =	vld [tilespmem:s21+$0x4810]  }
0x14b: {  	v28 =	vld [tilespmem:s21+$0x820]  }
0x14c: {  	v29 =	vld [tilespmem:s21+$0x4820]  }
0x14d: {  	v30 =	vld [tilespmem:s21+$0x830]  }
0x14e: {  	v31 =	vld [tilespmem:s21+$0x4830]  }
0x14f: {  	v32 =	vld [tilespmem:s21+$0x840];
	v16 =	vmul.f32 v17, v16;
	v17 =	vmul.f32 v27, v26  }
0x150: {  	v33 =	vld [tilespmem:s21+$0x4840]  }
0x151: {  	v34 =	vld [tilespmem:s21+$0x850];
	v16 =	vadd.f32 v17, v16;
	v17 =	vmul.f32 v29, v28  }
0x152: {  	v35 =	vld [tilespmem:s21+$0x4850]  }
0x153: {  	v36 =	vld [tilespmem:s21+$0x860];
	v16 =	vadd.f32 v17, v16;
	v17 =	vmul.f32 v31, v30  }
0x154: {  	v37 =	vld [tilespmem:s21+$0x4860]  }
0x155: {  	v38 =	vld [tilespmem:s21+$0x870];
	v16 =	vadd.f32 v17, v16;
	v17 =	vmul.f32 v33, v32  }
0x156: {  	v39 =	vld [tilespmem:s21+$0x4870]  }
0x157: {  	v16 =	vadd.f32 v17, v16;
	v17 =	vmul.f32 v35, v34;
	_ =	sdelay $0x1  }
0x158: {  	v16 =	vadd.f32 v17, v16;
	v17 =	vmul.f32 v37, v36;
	_ =	sdelay $0x1  }
0x159: {  	v16 =	vadd.f32 v17, v16;
	v17 =	vmul.f32 v39, v38;
	_ =	sdelay $0x1  }
0x15a: {  	v16 =	vadd.f32 v17, v16;
	_ =	sdelay $0x1  }
0x15b: {  	[tilespmem:$0x81E0] =	vst v16  }
0x15c: {  	v16 =	vld [tilespmem:s21+$0x880]  }
0x15d: {  	v17 =	vld [tilespmem:s21+$0x4880]  }
0x15e: {  	v40 =	vld [tilespmem:s21+$0x890]  }
0x15f: {  	v41 =	vld [tilespmem:s21+$0x4890]  }
0x160: {  	v42 =	vld [tilespmem:s21+$0x8A0]  }
0x161: {  	v43 =	vld [tilespmem:s21+$0x48A0]  }
0x162: {  	v44 =	vld [tilespmem:s21+$0x8B0]  }
0x163: {  	v45 =	vld [tilespmem:s21+$0x48B0]  }
0x164: {  	v46 =	vld [tilespmem:s21+$0x8C0];
	v16 =	vmul.f32 v17, v16;
	v17 =	vmul.f32 v41, v40  }
0x165: {  	v47 =	vld [tilespmem:s21+$0x48C0]  }
0x166: {  	v48 =	vld [tilespmem:s21+$0x8D0];
	v16 =	vadd.f32 v17, v16;
	v17 =	vmul.f32 v43, v42  }
0x167: {  	v49 =	vld [tilespmem:s21+$0x48D0]  }
0x168: {  	v50 =	vld [tilespmem:s21+$0x8E0];
	v16 =	vadd.f32 v17, v16;
	v17 =	vmul.f32 v45, v44  }
0x169: {  	v51 =	vld [tilespmem:s21+$0x48E0]  }
0x16a: {  	v52 =	vld [tilespmem:s21+$0x8F0];
	v16 =	vadd.f32 v17, v16;
	v17 =	vmul.f32 v47, v46  }
0x16b: {  	v53 =	vld [tilespmem:s21+$0x48F0]  }
0x16c: {  	v16 =	vadd.f32 v17, v16;
	v17 =	vmul.f32 v49, v48;
	_ =	sdelay $0x1  }
0x16d: {  	v16 =	vadd.f32 v17, v16;
	v17 =	vmul.f32 v51, v50;
	_ =	sdelay $0x1  }
0x16e: {  	v16 =	vadd.f32 v17, v16;
	v17 =	vmul.f32 v53, v52;
	_ =	sdelay $0x1  }
0x16f: {  	v16 =	vadd.f32 v17, v16;
	_ =	sdelay $0x1  }
0x170: {  	[tilespmem:$0x81F0] =	vst v16  }
0x171: {  	v16 =	vld.idx.msk [tilespmem:v0+s15+$0x0], $0xffff  }
0x172: {  	v17 =	vld.idx.msk [tilespmem:v1+s15+$0x0], $0xffff;
	_ =	sdelay $0x1  }
0x173: {  	v54 =	vld.idx.msk [tilespmem:v2+s15+$0x0], $0xffff;
	_ =	sdelay $0x1  }
0x174: {  	v55 =	vld.idx.msk [tilespmem:v3+s15+$0x0], $0xffff  }
0x175: {  	v16 =	vadd.f32 v17, v16  }
0x176: {  	v17 =	vld.idx.msk [tilespmem:v4+s15+$0x0], $0xffff  }
0x177: {  	v16 =	vadd.f32 v54, v16  }
0x178: {  	v56 =	vld.idx.msk [tilespmem:v5+s15+$0x0], $0xffff  }
0x179: {  	v16 =	vadd.f32 v55, v16  }
0x17a: {  	v57 =	vld.idx.msk [tilespmem:v6+s15+$0x0], $0xffff  }
0x17b: {  	v16 =	vadd.f32 v17, v16  }
0x17c: {  	v17 =	vld.idx.msk [tilespmem:v7+s15+$0x0], $0xffff  }
0x17d: {  	v16 =	vadd.f32 v56, v16  }
0x17e: {  	v58 =	vld.idx.msk [tilespmem:v8+s15+$0x0], $0xffff  }
0x17f: {  	v16 =	vadd.f32 v57, v16  }
0x180: {  	v59 =	vld.idx.msk [tilespmem:v9+s15+$0x0], $0xffff  }
0x181: {  	v16 =	vadd.f32 v17, v16  }
0x182: {  	v17 =	vld.idx.msk [tilespmem:v10+s15+$0x0], $0xffff  }
0x183: {  	v16 =	vadd.f32 v58, v16  }
0x184: {  	v60 =	vld.idx.msk [tilespmem:v11+s15+$0x0], $0xffff  }
0x185: {  	v16 =	vadd.f32 v59, v16  }
0x186: {  	v61 =	vld.idx.msk [tilespmem:v12+s15+$0x0], $0xffff  }
0x187: {  	v16 =	vadd.f32 v17, v16  }
0x188: {  	v17 =	vld.idx.msk [tilespmem:v13+s15+$0x0], $0xffff  }
0x189: {  	v16 =	vadd.f32 v60, v16  }
0x18a: {  	v62 =	vld.idx.msk [tilespmem:v14+s15+$0x0], $0xffff  }
0x18b: {  	v16 =	vadd.f32 v61, v16  }
0x18c: {  	v63 =	vld.idx.msk [tilespmem:v15+s15+$0x0], $0xffff  }
0x18d: {  	v16 =	vadd.f32 v17, v16  }
0x18e: {  	p0 =	sne.s32 s20, $0x7  }
.Ltmp0:
0x18f: {  	v16 =	vadd.f32 v62, v16;
	(pc) =	sbr.rel @p0 .LBB2_3-.Ltmp0, $4  }
0x190: {  	_ = 	snop  }
0x191: {  	s31 =	sshll.u32 s20, $0x4;
	v16 =	vadd.f32 v63, v16  }
0x192: {  	s21 =	sand.u32 $0x3FFFFFF0, s31  }
0x193: {  	s20 =	sadd.s32 $0x1, s20;
	[tilespmem:s21+$0x8200] =	vst v16  }
0x194: {  	s18 =	sadd.s32 $0x1, s18  }
0x195: {  	p0 =	sne.s32 s18, $0x4F  }
.Ltmp1:
0x196: {  	s19 =	sadd.s32 s6, s19;
	(pc) =	sbr.rel @p0 .LBB2_2-.Ltmp1, $4  }
0x197: {  	[hbm4b:s19+s4] =	stream.linear.scatter [tilespmem:s16], [sflag:$0x3], $0x80, $0x38;
	[tilespmem:$0x8280] =	vst v63  }
0x198: {  	_ =	swait.ge [sflag:s9], $0x80  }
0x199: {  	[sflag:s9] =	ssyncset.done $0x0  }
0x19a: {  	[sflag:s9] =	ssyncadd.s32 $0xFFFFFF80  }
0x19b: {  	s17 =	sadd.s32 $0x1, s17  }
0x19c: {  	p0 =	sne.s32 s17, s8  }
.Ltmp2:
0x19d: {  	_ = 	snop;
	(pc) =	sbr.rel @p0 .LBB2_1-.Ltmp2, $1  }
0x19e: {  	_ =	sdelay $0x3  }
0x19f: {  	_ =	sfence.sel $0x180000  }
0x1a0: {  	[bflag:$0x0] =	sbarrier.arrive $0xFFFF  }
0x1a1: {  	p0 =	sne.s32 s3, $0x0;
	_ =	strace $0x90000047  }
0x1a2: {  	s0 =	sadd.s32 @!p0 $0x100000, s0;
	[bflag:$0x2] =	sbarrier.arrive $0xFFFF  }
0x1a3: {  	[sflag:s0] =	ssyncadd.tile.s32 @!p0 $0x1;
	_ =	shalt  }
.Lfunc_end2:
_tile_overlayer_lowered:
.L_overlay_start_2:
0x1a4: {  	(tag) =	ssettag $0x2  }
0x1a5: {  	s0 =	rddreg [dreg:$0x0];
	s2 =	stileid.u32  }
0x1a6: {  	s1 =	rddreg [dreg:$0x1];
	p0 =	sne.s32 s2, $0x0  }
0x1a7: {  	s3 =	rddreg [dreg:$0x2];
	[bflag:$0x3] =	sbarrier.arrive $0xFFFF;
	s2 =	simm.s32 @!p0 $0x1C03  }
0x1a8: {  	[timem:s3], [sflag:s2] =	dma.local @!p0 [hbm:s0], s1  }
0x1a9: {  	s0 =	simm.s32 @!p0 $0x3  }
0x1aa: {  	_ =	swait.ge @!p0 [sflag:s0], s1  }
0x1ab: {  	s1 =	ssub.s32 @!p0 $0x0, s1;
	[sflag:s0] =	ssyncset.done @!p0 $0x0  }
0x1ac: {  	[sflag:s0] =	ssyncadd.s32 @!p0 s1  }
0x1ad: {  	[bflag:$0x3] =	sbarrier.arrive $0xFFFF  }
0x1ae: {  	_ =	shalt  }

</sc_bundles>
